<compile_context>
chip_gen: v7x
topology: tpu7x:2x2x1
jax: 0.10.2.dev20260603
libtpu: 0.0.44.dev20260713+nightly
codegen_flags: <defaults>
</compile_context>

<pallas_src>
import functools

import jax
import jax.numpy as jnp
from jax import lax
from jax.experimental import pallas as pl
from jax.experimental.pallas import tpu as pltpu
from jax.experimental.pallas import tpu_sc as plsc

L = 16


@functools.lru_cache(maxsize=None)
def _build_sc_row_gather(n_rows: int, n_pix: int, d: int):
    info = plsc.get_sparse_core_info()
    nc, ns = info.num_cores, info.num_subcores
    nw = nc * ns
    assert n_rows % (nw * n_pix) == 0

    rows_per_w = n_rows // nw
    tile_r = 64
    nbuf = 2
    n_tiles = rows_per_w // tile_r
    n_rounds = n_tiles // nbuf
    assert n_tiles % nbuf == 0 and n_pix % tile_r == 0

    mesh = plsc.VectorSubcoreMesh(core_axis_name="c", subcore_axis_name="s")

    @functools.partial(
        pl.kernel,
        mesh=mesh,
        out_type=jax.ShapeDtypeStruct((n_rows, d), jnp.float32),
        scratch_types=[
            pltpu.VMEM((n_pix,), jnp.int32),
            pltpu.VMEM((nbuf * tile_r,), jnp.int32),
            pltpu.VMEM((nbuf, tile_r, d), jnp.float32),
        ]
        + [pltpu.SemaphoreType.DMA] * (2 * nbuf),
    )
    def sc_row_gather(x_hbm, perm_hbm, out_hbm, perm_v, idx_v, rows_v, *sems):
        gsem, ssem = sems[:nbuf], sems[nbuf:]
        wid = lax.axis_index("s") * nc + lax.axis_index("c")
        base = wid * rows_per_w
        pltpu.sync_copy(perm_hbm, perm_v)

        def fill_idx(t, slot):
            g0 = base + t * tile_r
            boff = (g0 // n_pix) * n_pix
            p0 = g0 % n_pix
            for k in range(tile_r // L):
                idx_v[pl.ds(slot * tile_r + k * L, L)] = (
                    perm_v[pl.ds(p0 + k * L, L)] + boff
                )

        def gather(t, slot):
            return pltpu.make_async_copy(
                x_hbm.at[idx_v.at[pl.ds(slot * tile_r, tile_r)]],
                rows_v.at[slot],
                gsem[slot],
            )

        def store(t, slot):
            return pltpu.make_async_copy(
                rows_v.at[slot],
                out_hbm.at[pl.ds(base + t * tile_r, tile_r)],
                ssem[slot],
            )

        for s in range(nbuf - 1):
            fill_idx(s, s)
            gather(s, s).start()

        def round_body(r, carry):
            t0 = r * nbuf
            for s in range(nbuf):
                t = t0 + s
                gather(t, s).wait()
                store(t, s).start()

                @pl.when(t >= 1)
                def _():
                    store(t - 1, (s - 1) % nbuf).wait()

                tn = t + nbuf - 1
                sn = (s + nbuf - 1) % nbuf

                @pl.when(tn < n_tiles)
                def _():
                    fill_idx(tn, sn)
                    gather(tn, sn).start()

            return carry

        lax.fori_loop(0, n_rounds, round_body, 0)
        store(n_tiles - 1, (n_tiles - 1) % nbuf).wait()

    return sc_row_gather


def kernel(x, perm):
    b, c, h, w = x.shape
    n_pix = h * w
    xt = x.transpose(0, 2, 3, 1).reshape(b * n_pix, c)
    out = _build_sc_row_gather(b * n_pix, n_pix, c)(xt, perm)
    return out.reshape(b, h, w, c).transpose(0, 3, 1, 2)

# --- scband reference (transcript-rebuilt; emitter-appended) ---
"""Pipeline reference for scband-pixel-permutation-layer-53042846105629 (READ-ONLY COPY).

The authoritative reference and input builder live on the scoring server;
editing this copy changes nothing except your own understanding.
"""

import jax, jax.numpy as jnp
import numpy as np


def setup_inputs(seed: int = 0) -> dict:
    key = jax.random.key(seed)
    x = jax.random.normal(key, (128, 768, 16, 16), dtype=jnp.float32)
    # buffer registered at init: reversed-index permutation of length H*W = 256
    perm = jnp.arange(255, -1, -1, dtype=jnp.int32)
    return {"x": x, "perm": perm}


def reference(x, perm):
    b, c, h, w = x.shape
    total_pixels = h * w
    assert total_pixels == perm.shape[0]
    xf = x.reshape(b, c, total_pixels)
    xf = jnp.take(xf, perm, axis=2)
    return xf.reshape(b, c, h, w)

if __name__ == "__main__":
    import jax
    _d = setup_inputs()
    print(jax.jit(kernel)(*tuple(_d.values())))

</pallas_src>

<mosaic_0001>
#map = affine_map<(d0, d1) -> (0, 0)>
#map1 = affine_map<(d0, d1) -> (0)>
module attributes {stable_mosaic.version = 14 : i64} {
  func.func @sc_row_gather(%arg0: i32, %arg1: i32, %arg2: memref<32768x768xf32, #tpu.memory_space<hbm>>, %arg3: memref<256xi32, #tpu.memory_space<hbm>>, %arg4: memref<32768x768xf32, #tpu.memory_space<hbm>>, %arg5: memref<256xi32, #tpu.memory_space<vmem>>, %arg6: memref<128xi32, #tpu.memory_space<vmem>>, %arg7: memref<2x64x768xf32, #tpu.memory_space<vmem>>, %arg8: memref<!tpu.dma_semaphore, #tpu.memory_space<semaphore_mem>>, %arg9: memref<!tpu.dma_semaphore, #tpu.memory_space<semaphore_mem>>, %arg10: memref<!tpu.dma_semaphore, #tpu.memory_space<semaphore_mem>>, %arg11: memref<!tpu.dma_semaphore, #tpu.memory_space<semaphore_mem>>) attributes {dimension_semantics = [#tpu.dimension_semantics<core_parallel>, #tpu.dimension_semantics<subcore_parallel>], iteration_bounds = array<i64: 2, 16>, scalar_prefetch = 0 : i64, scratch_operands = 7 : i64, tpu.core_type = #tpu.core_type<sc_vector_subcore>, window_params = [{transform_indices = #map}, {transform_indices = #map1}, {transform_indices = #map}]} {
    %mul3A = arith.constant 2 : i32
    %mul3A_0 = arith.muli %arg1, %mul3A : i32
    %add3A = arith.addi %mul3A_0, %arg0 : i32
    %mul3A_1 = arith.constant 1024 : i32
    %mul3A_2 = arith.muli %add3A, %mul3A_1 : i32
    "tpu.region"() ({
      %run_scoped3A = tpu.sem_alloc : memref<!tpu.dma_semaphore, #tpu.memory_space<semaphore_mem>>
      tpu.enqueue_dma source(%arg3 : memref<256xi32, #tpu.memory_space<hbm>>) target(%arg5 : memref<256xi32, #tpu.memory_space<vmem>>) target_semaphore(%run_scoped3A : memref<!tpu.dma_semaphore, #tpu.memory_space<semaphore_mem>>)
      tpu.wait_dma2 semaphore(%run_scoped3A : memref<!tpu.dma_semaphore, #tpu.memory_space<semaphore_mem>>) src(%arg3 : memref<256xi32, #tpu.memory_space<hbm>>) dst(%arg5 : memref<256xi32, #tpu.memory_space<vmem>>)
      tpu.yield
    }) : () -> ()
    %add3A_3 = arith.constant 0 : i32
    %add3A_4 = arith.addi %mul3A_2, %add3A_3 : i32
    %jit3A = arith.constant 256 : i32
    %div3A = arith.divsi %add3A_4, %jit3A : i32
    %sign3A = arith.constant 0 : i32
    %sign3A_5 = arith.cmpi sgt, %add3A_4, %sign3A : i32
    %sign3A_6 = arith.extui %sign3A_5 : i1 to i32
    %sign3A_7 = arith.constant 0 : i32
    %sign3A_8 = arith.cmpi slt, %add3A_4, %sign3A_7 : i32
    %sign3A_9 = arith.extui %sign3A_8 : i1 to i32
    %sign3A_10 = arith.subi %sign3A_6, %sign3A_9 : i32
    %sign3A_11 = arith.constant 0 : i32
    %sign3A_12 = arith.cmpi sgt, %jit3A, %sign3A_11 : i32
    %sign3A_13 = arith.extui %sign3A_12 : i1 to i32
    %sign3A_14 = arith.constant 0 : i32
    %sign3A_15 = arith.cmpi slt, %jit3A, %sign3A_14 : i32
    %sign3A_16 = arith.extui %sign3A_15 : i1 to i32
    %sign3A_17 = arith.subi %sign3A_13, %sign3A_16 : i32
    %ne3A = arith.cmpi ne, %sign3A_10, %sign3A_17 : i32
    %rem3A = arith.remsi %add3A_4, %jit3A : i32
    %ne3A_18 = arith.constant 0 : i32
    %ne3A_19 = arith.cmpi ne, %rem3A, %ne3A_18 : i32
    %and3A = arith.andi %ne3A, %ne3A_19 : i1
    %sub3A = arith.constant 1 : i32
    %sub3A_20 = arith.subi %div3A, %sub3A : i32
    %select_n3A = arith.select %and3A, %sub3A_20, %div3A : i32
    %mul3A_21 = arith.constant 256 : i32
    %mul3A_22 = arith.muli %select_n3A, %mul3A_21 : i32
    %jit3A_23 = arith.constant 256 : i32
    %eq3A = arith.constant 0 : i32
    %eq3A_24 = arith.cmpi eq, %jit3A_23, %eq3A : i32
    %jit3A_25 = arith.constant 1 : i32
    %select_n3A_26 = arith.select %eq3A_24, %jit3A_25, %jit3A_23 : i32
    %rem3A_27 = arith.remsi %add3A_4, %select_n3A_26 : i32
    %ne3A_28 = arith.constant 0 : i32
    %ne3A_29 = arith.cmpi ne, %rem3A_27, %ne3A_28 : i32
    %lt3A = arith.constant 0 : i32
    %lt3A_30 = arith.cmpi slt, %rem3A_27, %lt3A : i32
    %lt3A_31 = arith.constant 0 : i32
    %lt3A_32 = arith.cmpi slt, %select_n3A_26, %lt3A_31 : i32
    %ne3A_33 = arith.xori %lt3A_30, %lt3A_32 : i1
    %and3A_34 = arith.andi %ne3A_33, %ne3A_29 : i1
    %add3A_35 = arith.addi %rem3A_27, %select_n3A_26 : i32
    %select_n3A_36 = arith.select %and3A_34, %add3A_35, %rem3A_27 : i32
    %add3A_37 = arith.constant 0 : i32
    %add3A_38 = arith.addi %select_n3A_36, %add3A_37 : i32
    %get3A = arith.index_cast %add3A_38 : i32 to index
    %get3A_39 = tpu.vector_load %arg5[%get3A] {strides = array<i32>} : memref<256xi32, #tpu.memory_space<vmem>>, vector<16xi32>,
    %get3A_40 = vector.shape_cast %get3A_39 : vector<16xi32> to vector<16xi32>
    %add3A_41 = vector.broadcast %mul3A_22 : i32 to vector<16xi32>
    %add3A_42 = arith.addi %get3A_40, %add3A_41 : vector<16xi32>
    %swap3A = arith.constant 0 : index
    %swap3A_43 = tpu.vector_load %arg6[%swap3A] {strides = array<i32>} : memref<128xi32, #tpu.memory_space<vmem>>, vector<16xi32>,
    %swap3A_44 = vector.shape_cast %swap3A_43 : vector<16xi32> to vector<16xi32>
    %swap3A_45 = vector.shape_cast %add3A_42 : vector<16xi32> to vector<16xi32>
    tpu.vector_store %arg6[%swap3A], %swap3A_45 {strides = array<i32>} : memref<128xi32, #tpu.memory_space<vmem>>, vector<16xi32>,
    %add3A_46 = arith.constant 16 : i32
    %add3A_47 = arith.addi %select_n3A_36, %add3A_46 : i32
    %get3A_48 = arith.index_cast %add3A_47 : i32 to index
    %get3A_49 = tpu.vector_load %arg5[%get3A_48] {strides = array<i32>} : memref<256xi32, #tpu.memory_space<vmem>>, vector<16xi32>,
    %get3A_50 = vector.shape_cast %get3A_49 : vector<16xi32> to vector<16xi32>
    %add3A_51 = vector.broadcast %mul3A_22 : i32 to vector<16xi32>
    %add3A_52 = arith.addi %get3A_50, %add3A_51 : vector<16xi32>
    %swap3A_53 = arith.constant 16 : index
    %swap3A_54 = tpu.vector_load %arg6[%swap3A_53] {strides = array<i32>} : memref<128xi32, #tpu.memory_space<vmem>>, vector<16xi32>,
    %swap3A_55 = vector.shape_cast %swap3A_54 : vector<16xi32> to vector<16xi32>
    %swap3A_56 = vector.shape_cast %add3A_52 : vector<16xi32> to vector<16xi32>
    tpu.vector_store %arg6[%swap3A_53], %swap3A_56 {strides = array<i32>} : memref<128xi32, #tpu.memory_space<vmem>>, vector<16xi32>,
    %add3A_57 = arith.constant 32 : i32
    %add3A_58 = arith.addi %select_n3A_36, %add3A_57 : i32
    %get3A_59 = arith.index_cast %add3A_58 : i32 to index
    %get3A_60 = tpu.vector_load %arg5[%get3A_59] {strides = array<i32>} : memref<256xi32, #tpu.memory_space<vmem>>, vector<16xi32>,
    %get3A_61 = vector.shape_cast %get3A_60 : vector<16xi32> to vector<16xi32>
    %add3A_62 = vector.broadcast %mul3A_22 : i32 to vector<16xi32>
    %add3A_63 = arith.addi %get3A_61, %add3A_62 : vector<16xi32>
    %swap3A_64 = arith.constant 32 : index
    %swap3A_65 = tpu.vector_load %arg6[%swap3A_64] {strides = array<i32>} : memref<128xi32, #tpu.memory_space<vmem>>, vector<16xi32>,
    %swap3A_66 = vector.shape_cast %swap3A_65 : vector<16xi32> to vector<16xi32>
    %swap3A_67 = vector.shape_cast %add3A_63 : vector<16xi32> to vector<16xi32>
    tpu.vector_store %arg6[%swap3A_64], %swap3A_67 {strides = array<i32>} : memref<128xi32, #tpu.memory_space<vmem>>, vector<16xi32>,
    %add3A_68 = arith.constant 48 : i32
    %add3A_69 = arith.addi %select_n3A_36, %add3A_68 : i32
    %get3A_70 = arith.index_cast %add3A_69 : i32 to index
    %get3A_71 = tpu.vector_load %arg5[%get3A_70] {strides = array<i32>} : memref<256xi32, #tpu.memory_space<vmem>>, vector<16xi32>,
    %get3A_72 = vector.shape_cast %get3A_71 : vector<16xi32> to vector<16xi32>
    %add3A_73 = vector.broadcast %mul3A_22 : i32 to vector<16xi32>
    %add3A_74 = arith.addi %get3A_72, %add3A_73 : vector<16xi32>
    %swap3A_75 = arith.constant 48 : index
    %swap3A_76 = tpu.vector_load %arg6[%swap3A_75] {strides = array<i32>} : memref<128xi32, #tpu.memory_space<vmem>>, vector<16xi32>,
    %swap3A_77 = vector.shape_cast %swap3A_76 : vector<16xi32> to vector<16xi32>
    %swap3A_78 = vector.shape_cast %add3A_74 : vector<16xi32> to vector<16xi32>
    tpu.vector_store %arg6[%swap3A_75], %swap3A_78 {strides = array<i32>} : memref<128xi32, #tpu.memory_space<vmem>>, vector<16xi32>,
    %dma_start3A = arith.constant 0 : i32
    %dma_start3A_79 = arith.constant 0 : i32
    %dma_start3A_80 = arith.constant 0 : i32
    %dma_start3A_81 = tpu.memref_slice %arg7[%dma_start3A, %dma_start3A_79, %dma_start3A_80] : memref<2x64x768xf32, #tpu.memory_space<vmem>> -> memref<1x64x768xf32, #tpu.memory_space<vmem>>
    %dma_start3A_82 = tpu.memref_squeeze %dma_start3A_81 : memref<1x64x768xf32, #tpu.memory_space<vmem>> -> memref<64x768xf32, #tpu.memory_space<vmem>>
    %dma_start3A_83 = arith.constant 0 : i32
    %dma_start3A_84 = tpu.memref_slice %arg6[%dma_start3A_83] : memref<128xi32, #tpu.memory_space<vmem>> -> memref<64xi32, #tpu.memory_space<vmem>>
    %dma_start3A_85 = arith.constant 0 : i32
    %dma_start3A_86 = arith.constant 0 : i32
    %dma_start3A_87 = tpu.memref_slice %arg2[%dma_start3A_85, %dma_start3A_86] : memref<32768x768xf32, #tpu.memory_space<hbm>> -> memref<32768x768xf32, #tpu.memory_space<hbm>>
    tpu.enqueue_indirect_dma source(%dma_start3A_87 : memref<32768x768xf32, #tpu.memory_space<hbm>>) target(%dma_start3A_82 : memref<64x768xf32, #tpu.memory_space<vmem>>) offsets(%dma_start3A_84 : memref<64xi32, #tpu.memory_space<vmem>>) semaphore(%arg8 : memref<!tpu.dma_semaphore, #tpu.memory_space<semaphore_mem>>)
    %scan3A = arith.constant 0 : i32
    %scan3A_88 = arith.constant 0 : i32
    %scan3A_89 = arith.constant 8 : i32
    %scan3A_90 = arith.addi %scan3A_88, %scan3A_89 : i32
    %scan3A_91 = arith.constant 1 : i32
    scf.for %scan3A_107 = %scan3A_88 to %scan3A_90 step %scan3A_91  : i32 {
      %mul3A_108 = arith.constant 2 : i32
      %mul3A_109 = arith.muli %scan3A_107, %mul3A_108 : i32
      %add3A_110 = arith.constant 0 : i32
      %add3A_111 = arith.addi %mul3A_109, %add3A_110 : i32
      %dma_wait3A_112 = arith.constant 0 : i32
      %dma_wait3A_113 = arith.constant 0 : i32
      %dma_wait3A_114 = arith.constant 0 : i32
      %dma_wait3A_115 = tpu.memref_slice %arg7[%dma_wait3A_112, %dma_wait3A_113, %dma_wait3A_114] : memref<2x64x768xf32, #tpu.memory_space<vmem>> -> memref<1x64x768xf32, #tpu.memory_space<vmem>>
      %dma_wait3A_116 = tpu.memref_squeeze %dma_wait3A_115 : memref<1x64x768xf32, #tpu.memory_space<vmem>> -> memref<64x768xf32, #tpu.memory_space<vmem>>
      %dma_wait3A_117 = arith.constant 0 : i32
      %dma_wait3A_118 = tpu.memref_slice %arg6[%dma_wait3A_117] : memref<128xi32, #tpu.memory_space<vmem>> -> memref<64xi32, #tpu.memory_space<vmem>>
      %dma_wait3A_119 = arith.constant 0 : i32
      %dma_wait3A_120 = arith.constant 0 : i32
      %dma_wait3A_121 = tpu.memref_slice %arg2[%dma_wait3A_119, %dma_wait3A_120] : memref<32768x768xf32, #tpu.memory_space<hbm>> -> memref<32768x768xf32, #tpu.memory_space<hbm>>
      tpu.wait_indirect_dma semaphore(%arg8 : memref<!tpu.dma_semaphore, #tpu.memory_space<semaphore_mem>>) src(%dma_wait3A_121 : memref<32768x768xf32, #tpu.memory_space<hbm>>) dst(%dma_wait3A_116 : memref<64x768xf32, #tpu.memory_space<vmem>>)
      %mul3A_122 = arith.constant 64 : i32
      %mul3A_123 = arith.muli %add3A_111, %mul3A_122 : i32
      %add3A_124 = arith.addi %mul3A_2, %mul3A_123 : i32
      %dma_start3A_125 = arith.constant 0 : i32
      %dma_start3A_126 = arith.constant 0 : i32
      %dma_start3A_127 = arith.constant 0 : i32
      %dma_start3A_128 = tpu.memref_slice %arg7[%dma_start3A_125, %dma_start3A_126, %dma_start3A_127] : memref<2x64x768xf32, #tpu.memory_space<vmem>> -> memref<1x64x768xf32, #tpu.memory_space<vmem>>
      %dma_start3A_129 = tpu.memref_squeeze %dma_start3A_128 : memref<1x64x768xf32, #tpu.memory_space<vmem>> -> memref<64x768xf32, #tpu.memory_space<vmem>>
      %dma_start3A_130 = arith.constant 0 : i32
      %dma_start3A_131 = tpu.memref_slice %arg4[%add3A_124, %dma_start3A_130] : memref<32768x768xf32, #tpu.memory_space<hbm>> -> memref<64x768xf32, #tpu.memory_space<hbm>>
      %dma_start3A_132 = arith.constant 0 : i32
      %dma_start3A_133 = tpu.memref_slice %arg4[%add3A_124, %dma_start3A_132] : memref<32768x768xf32, #tpu.memory_space<hbm>> -> memref<64x768xf32, #tpu.memory_space<hbm>>
      %dma_start3A_134 = arith.constant 0 : i32
      %dma_start3A_135 = arith.constant 0 : i32
      %dma_start3A_136 = tpu.memref_slice %arg7[%dma_start3A_125, %dma_start3A_134, %dma_start3A_135] : memref<2x64x768xf32, #tpu.memory_space<vmem>> -> memref<1x64x768xf32, #tpu.memory_space<vmem>>
      %dma_start3A_137 = tpu.memref_squeeze %dma_start3A_136 : memref<1x64x768xf32, #tpu.memory_space<vmem>> -> memref<64x768xf32, #tpu.memory_space<vmem>>
      tpu.enqueue_dma source(%dma_start3A_137 : memref<64x768xf32, #tpu.memory_space<vmem>>) target(%dma_start3A_133 : memref<64x768xf32, #tpu.memory_space<hbm>>) target_semaphore(%arg10 : memref<!tpu.dma_semaphore, #tpu.memory_space<semaphore_mem>>)
      %ge3A = arith.constant 1 : i32
      %ge3A_138 = arith.cmpi sge, %add3A_111, %ge3A : i32
      %convert_element_type3A = arith.extui %ge3A_138 : i1 to i32
      %cond3A = arith.constant 0 : i32
      %cond3A_139 = arith.cmpi ne, %convert_element_type3A, %cond3A : i32
      scf.if %cond3A_139 {
        %sub3A_191 = arith.constant 1 : i32
        %sub3A_192 = arith.subi %add3A_111, %sub3A_191 : i32
        %mul3A_193 = arith.constant 64 : i32
        %mul3A_194 = arith.muli %sub3A_192, %mul3A_193 : i32
        %add3A_195 = arith.addi %mul3A_2, %mul3A_194 : i32
        %dma_wait3A_196 = arith.constant 1 : i32
        %dma_wait3A_197 = arith.constant 0 : i32
        %dma_wait3A_198 = arith.constant 0 : i32
        %dma_wait3A_199 = tpu.memref_slice %arg7[%dma_wait3A_196, %dma_wait3A_197, %dma_wait3A_198] : memref<2x64x768xf32, #tpu.memory_space<vmem>> -> memref<1x64x768xf32, #tpu.memory_space<vmem>>
        %dma_wait3A_200 = tpu.memref_squeeze %dma_wait3A_199 : memref<1x64x768xf32, #tpu.memory_space<vmem>> -> memref<64x768xf32, #tpu.memory_space<vmem>>
        %dma_wait3A_201 = arith.constant 0 : i32
        %dma_wait3A_202 = tpu.memref_slice %arg4[%add3A_195, %dma_wait3A_201] : memref<32768x768xf32, #tpu.memory_space<hbm>> -> memref<64x768xf32, #tpu.memory_space<hbm>>
        %dma_wait3A_203 = arith.constant 0 : i32
        %dma_wait3A_204 = tpu.memref_slice %arg4[%add3A_195, %dma_wait3A_203] : memref<32768x768xf32, #tpu.memory_space<hbm>> -> memref<64x768xf32, #tpu.memory_space<hbm>>
        %dma_wait3A_205 = arith.constant 0 : i32
        %dma_wait3A_206 = arith.constant 0 : i32
        %dma_wait3A_207 = tpu.memref_slice %arg7[%dma_wait3A_196, %dma_wait3A_205, %dma_wait3A_206] : memref<2x64x768xf32, #tpu.memory_space<vmem>> -> memref<1x64x768xf32, #tpu.memory_space<vmem>>
        %dma_wait3A_208 = tpu.memref_squeeze %dma_wait3A_207 : memref<1x64x768xf32, #tpu.memory_space<vmem>> -> memref<64x768xf32, #tpu.memory_space<vmem>>
        tpu.wait_dma2 semaphore(%arg11 : memref<!tpu.dma_semaphore, #tpu.memory_space<semaphore_mem>>) src(%dma_wait3A_208 : memref<64x768xf32, #tpu.memory_space<vmem>>) dst(%dma_wait3A_204 : memref<64x768xf32, #tpu.memory_space<hbm>>)
      } else {
      }
      %add3A_140 = arith.constant 2 : i32
      %add3A_141 = arith.addi %add3A_111, %add3A_140 : i32
      %sub3A_142 = arith.constant 1 : i32
      %sub3A_143 = arith.subi %add3A_141, %sub3A_142 : i32
      %lt3A_144 = arith.constant 16 : i32
      %lt3A_145 = arith.cmpi slt, %sub3A_143, %lt3A_144 : i32
      %convert_element_type3A_146 = arith.extui %lt3A_145 : i1 to i32
      %cond3A_147 = arith.constant 0 : i32
      %cond3A_148 = arith.cmpi ne, %convert_element_type3A_146, %cond3A_147 : i32
      scf.if %cond3A_148 {
        %mul3A_191 = arith.constant 64 : i32
        %mul3A_192 = arith.muli %sub3A_143, %mul3A_191 : i32
        %add3A_193 = arith.addi %mul3A_2, %mul3A_192 : i32
        %jit3A_194 = arith.constant 256 : i32
        %div3A_195 = arith.divsi %add3A_193, %jit3A_194 : i32
        %sign3A_196 = arith.constant 0 : i32
        %sign3A_197 = arith.cmpi sgt, %add3A_193, %sign3A_196 : i32
        %sign3A_198 = arith.extui %sign3A_197 : i1 to i32
        %sign3A_199 = arith.constant 0 : i32
        %sign3A_200 = arith.cmpi slt, %add3A_193, %sign3A_199 : i32
        %sign3A_201 = arith.extui %sign3A_200 : i1 to i32
        %sign3A_202 = arith.subi %sign3A_198, %sign3A_201 : i32
        %sign3A_203 = arith.constant 0 : i32
        %sign3A_204 = arith.cmpi sgt, %jit3A_194, %sign3A_203 : i32
        %sign3A_205 = arith.extui %sign3A_204 : i1 to i32
        %sign3A_206 = arith.constant 0 : i32
        %sign3A_207 = arith.cmpi slt, %jit3A_194, %sign3A_206 : i32
        %sign3A_208 = arith.extui %sign3A_207 : i1 to i32
        %sign3A_209 = arith.subi %sign3A_205, %sign3A_208 : i32
        %ne3A_210 = arith.cmpi ne, %sign3A_202, %sign3A_209 : i32
        %rem3A_211 = arith.remsi %add3A_193, %jit3A_194 : i32
        %ne3A_212 = arith.constant 0 : i32
        %ne3A_213 = arith.cmpi ne, %rem3A_211, %ne3A_212 : i32
        %and3A_214 = arith.andi %ne3A_210, %ne3A_213 : i1
        %sub3A_215 = arith.constant 1 : i32
        %sub3A_216 = arith.subi %div3A_195, %sub3A_215 : i32
        %select_n3A_217 = arith.select %and3A_214, %sub3A_216, %div3A_195 : i32
        %mul3A_218 = arith.constant 256 : i32
        %mul3A_219 = arith.muli %select_n3A_217, %mul3A_218 : i32
        %jit3A_220 = arith.constant 256 : i32
        %eq3A_221 = arith.constant 0 : i32
        %eq3A_222 = arith.cmpi eq, %jit3A_220, %eq3A_221 : i32
        %jit3A_223 = arith.constant 1 : i32
        %select_n3A_224 = arith.select %eq3A_222, %jit3A_223, %jit3A_220 : i32
        %rem3A_225 = arith.remsi %add3A_193, %select_n3A_224 : i32
        %ne3A_226 = arith.constant 0 : i32
        %ne3A_227 = arith.cmpi ne, %rem3A_225, %ne3A_226 : i32
        %lt3A_228 = arith.constant 0 : i32
        %lt3A_229 = arith.cmpi slt, %rem3A_225, %lt3A_228 : i32
        %lt3A_230 = arith.constant 0 : i32
        %lt3A_231 = arith.cmpi slt, %select_n3A_224, %lt3A_230 : i32
        %ne3A_232 = arith.xori %lt3A_229, %lt3A_231 : i1
        %and3A_233 = arith.andi %ne3A_232, %ne3A_227 : i1
        %add3A_234 = arith.addi %rem3A_225, %select_n3A_224 : i32
        %select_n3A_235 = arith.select %and3A_233, %add3A_234, %rem3A_225 : i32
        %add3A_236 = arith.constant 0 : i32
        %add3A_237 = arith.addi %select_n3A_235, %add3A_236 : i32
        %get3A_238 = arith.index_cast %add3A_237 : i32 to index
        %get3A_239 = tpu.vector_load %arg5[%get3A_238] {strides = array<i32>} : memref<256xi32, #tpu.memory_space<vmem>>, vector<16xi32>,
        %get3A_240 = vector.shape_cast %get3A_239 : vector<16xi32> to vector<16xi32>
        %add3A_241 = vector.broadcast %mul3A_219 : i32 to vector<16xi32>
        %add3A_242 = arith.addi %get3A_240, %add3A_241 : vector<16xi32>
        %swap3A_243 = arith.constant 64 : index
        %swap3A_244 = tpu.vector_load %arg6[%swap3A_243] {strides = array<i32>} : memref<128xi32, #tpu.memory_space<vmem>>, vector<16xi32>,
        %swap3A_245 = vector.shape_cast %swap3A_244 : vector<16xi32> to vector<16xi32>
        %swap3A_246 = vector.shape_cast %add3A_242 : vector<16xi32> to vector<16xi32>
        tpu.vector_store %arg6[%swap3A_243], %swap3A_246 {strides = array<i32>} : memref<128xi32, #tpu.memory_space<vmem>>, vector<16xi32>,
        %add3A_247 = arith.constant 16 : i32
        %add3A_248 = arith.addi %select_n3A_235, %add3A_247 : i32
        %get3A_249 = arith.index_cast %add3A_248 : i32 to index
        %get3A_250 = tpu.vector_load %arg5[%get3A_249] {strides = array<i32>} : memref<256xi32, #tpu.memory_space<vmem>>, vector<16xi32>,
        %get3A_251 = vector.shape_cast %get3A_250 : vector<16xi32> to vector<16xi32>
        %add3A_252 = vector.broadcast %mul3A_219 : i32 to vector<16xi32>
        %add3A_253 = arith.addi %get3A_251, %add3A_252 : vector<16xi32>
        %swap3A_254 = arith.constant 80 : index
        %swap3A_255 = tpu.vector_load %arg6[%swap3A_254] {strides = array<i32>} : memref<128xi32, #tpu.memory_space<vmem>>, vector<16xi32>,
        %swap3A_256 = vector.shape_cast %swap3A_255 : vector<16xi32> to vector<16xi32>
        %swap3A_257 = vector.shape_cast %add3A_253 : vector<16xi32> to vector<16xi32>
        tpu.vector_store %arg6[%swap3A_254], %swap3A_257 {strides = array<i32>} : memref<128xi32, #tpu.memory_space<vmem>>, vector<16xi32>,
        %add3A_258 = arith.constant 32 : i32
        %add3A_259 = arith.addi %select_n3A_235, %add3A_258 : i32
        %get3A_260 = arith.index_cast %add3A_259 : i32 to index
        %get3A_261 = tpu.vector_load %arg5[%get3A_260] {strides = array<i32>} : memref<256xi32, #tpu.memory_space<vmem>>, vector<16xi32>,
        %get3A_262 = vector.shape_cast %get3A_261 : vector<16xi32> to vector<16xi32>
        %add3A_263 = vector.broadcast %mul3A_219 : i32 to vector<16xi32>
        %add3A_264 = arith.addi %get3A_262, %add3A_263 : vector<16xi32>
        %swap3A_265 = arith.constant 96 : index
        %swap3A_266 = tpu.vector_load %arg6[%swap3A_265] {strides = array<i32>} : memref<128xi32, #tpu.memory_space<vmem>>, vector<16xi32>,
        %swap3A_267 = vector.shape_cast %swap3A_266 : vector<16xi32> to vector<16xi32>
        %swap3A_268 = vector.shape_cast %add3A_264 : vector<16xi32> to vector<16xi32>
        tpu.vector_store %arg6[%swap3A_265], %swap3A_268 {strides = array<i32>} : memref<128xi32, #tpu.memory_space<vmem>>, vector<16xi32>,
        %add3A_269 = arith.constant 48 : i32
        %add3A_270 = arith.addi %select_n3A_235, %add3A_269 : i32
        %get3A_271 = arith.index_cast %add3A_270 : i32 to index
        %get3A_272 = tpu.vector_load %arg5[%get3A_271] {strides = array<i32>} : memref<256xi32, #tpu.memory_space<vmem>>, vector<16xi32>,
        %get3A_273 = vector.shape_cast %get3A_272 : vector<16xi32> to vector<16xi32>
        %add3A_274 = vector.broadcast %mul3A_219 : i32 to vector<16xi32>
        %add3A_275 = arith.addi %get3A_273, %add3A_274 : vector<16xi32>
        %swap3A_276 = arith.constant 112 : index
        %swap3A_277 = tpu.vector_load %arg6[%swap3A_276] {strides = array<i32>} : memref<128xi32, #tpu.memory_space<vmem>>, vector<16xi32>,
        %swap3A_278 = vector.shape_cast %swap3A_277 : vector<16xi32> to vector<16xi32>
        %swap3A_279 = vector.shape_cast %add3A_275 : vector<16xi32> to vector<16xi32>
        tpu.vector_store %arg6[%swap3A_276], %swap3A_279 {strides = array<i32>} : memref<128xi32, #tpu.memory_space<vmem>>, vector<16xi32>,
        %dma_start3A_280 = arith.constant 1 : i32
        %dma_start3A_281 = arith.constant 0 : i32
        %dma_start3A_282 = arith.constant 0 : i32
        %dma_start3A_283 = tpu.memref_slice %arg7[%dma_start3A_280, %dma_start3A_281, %dma_start3A_282] : memref<2x64x768xf32, #tpu.memory_space<vmem>> -> memref<1x64x768xf32, #tpu.memory_space<vmem>>
        %dma_start3A_284 = tpu.memref_squeeze %dma_start3A_283 : memref<1x64x768xf32, #tpu.memory_space<vmem>> -> memref<64x768xf32, #tpu.memory_space<vmem>>
        %dma_start3A_285 = arith.constant 64 : i32
        %dma_start3A_286 = tpu.memref_slice %arg6[%dma_start3A_285] : memref<128xi32, #tpu.memory_space<vmem>> -> memref<64xi32, #tpu.memory_space<vmem>>
        %dma_start3A_287 = arith.constant 0 : i32
        %dma_start3A_288 = arith.constant 0 : i32
        %dma_start3A_289 = tpu.memref_slice %arg2[%dma_start3A_287, %dma_start3A_288] : memref<32768x768xf32, #tpu.memory_space<hbm>> -> memref<32768x768xf32, #tpu.memory_space<hbm>>
        tpu.enqueue_indirect_dma source(%dma_start3A_289 : memref<32768x768xf32, #tpu.memory_space<hbm>>) target(%dma_start3A_284 : memref<64x768xf32, #tpu.memory_space<vmem>>) offsets(%dma_start3A_286 : memref<64xi32, #tpu.memory_space<vmem>>) semaphore(%arg9 : memref<!tpu.dma_semaphore, #tpu.memory_space<semaphore_mem>>)
      } else {
      }
      %add3A_149 = arith.constant 1 : i32
      %add3A_150 = arith.addi %mul3A_109, %add3A_149 : i32
      %dma_wait3A_151 = arith.constant 1 : i32
      %dma_wait3A_152 = arith.constant 0 : i32
      %dma_wait3A_153 = arith.constant 0 : i32
      %dma_wait3A_154 = tpu.memref_slice %arg7[%dma_wait3A_151, %dma_wait3A_152, %dma_wait3A_153] : memref<2x64x768xf32, #tpu.memory_space<vmem>> -> memref<1x64x768xf32, #tpu.memory_space<vmem>>
      %dma_wait3A_155 = tpu.memref_squeeze %dma_wait3A_154 : memref<1x64x768xf32, #tpu.memory_space<vmem>> -> memref<64x768xf32, #tpu.memory_space<vmem>>
      %dma_wait3A_156 = arith.constant 64 : i32
      %dma_wait3A_157 = tpu.memref_slice %arg6[%dma_wait3A_156] : memref<128xi32, #tpu.memory_space<vmem>> -> memref<64xi32, #tpu.memory_space<vmem>>
      %dma_wait3A_158 = arith.constant 0 : i32
      %dma_wait3A_159 = arith.constant 0 : i32
      %dma_wait3A_160 = tpu.memref_slice %arg2[%dma_wait3A_158, %dma_wait3A_159] : memref<32768x768xf32, #tpu.memory_space<hbm>> -> memref<32768x768xf32, #tpu.memory_space<hbm>>
      tpu.wait_indirect_dma semaphore(%arg9 : memref<!tpu.dma_semaphore, #tpu.memory_space<semaphore_mem>>) src(%dma_wait3A_160 : memref<32768x768xf32, #tpu.memory_space<hbm>>) dst(%dma_wait3A_155 : memref<64x768xf32, #tpu.memory_space<vmem>>)
      %mul3A_161 = arith.constant 64 : i32
      %mul3A_162 = arith.muli %add3A_150, %mul3A_161 : i32
      %add3A_163 = arith.addi %mul3A_2, %mul3A_162 : i32
      %dma_start3A_164 = arith.constant 1 : i32
      %dma_start3A_165 = arith.constant 0 : i32
      %dma_start3A_166 = arith.constant 0 : i32
      %dma_start3A_167 = tpu.memref_slice %arg7[%dma_start3A_164, %dma_start3A_165, %dma_start3A_166] : memref<2x64x768xf32, #tpu.memory_space<vmem>> -> memref<1x64x768xf32, #tpu.memory_space<vmem>>
      %dma_start3A_168 = tpu.memref_squeeze %dma_start3A_167 : memref<1x64x768xf32, #tpu.memory_space<vmem>> -> memref<64x768xf32, #tpu.memory_space<vmem>>
      %dma_start3A_169 = arith.constant 0 : i32
      %dma_start3A_170 = tpu.memref_slice %arg4[%add3A_163, %dma_start3A_169] : memref<32768x768xf32, #tpu.memory_space<hbm>> -> memref<64x768xf32, #tpu.memory_space<hbm>>
      %dma_start3A_171 = arith.constant 0 : i32
      %dma_start3A_172 = tpu.memref_slice %arg4[%add3A_163, %dma_start3A_171] : memref<32768x768xf32, #tpu.memory_space<hbm>> -> memref<64x768xf32, #tpu.memory_space<hbm>>
      %dma_start3A_173 = arith.constant 0 : i32
      %dma_start3A_174 = arith.constant 0 : i32
      %dma_start3A_175 = tpu.memref_slice %arg7[%dma_start3A_164, %dma_start3A_173, %dma_start3A_174] : memref<2x64x768xf32, #tpu.memory_space<vmem>> -> memref<1x64x768xf32, #tpu.memory_space<vmem>>
      %dma_start3A_176 = tpu.memref_squeeze %dma_start3A_175 : memref<1x64x768xf32, #tpu.memory_space<vmem>> -> memref<64x768xf32, #tpu.memory_space<vmem>>
      tpu.enqueue_dma source(%dma_start3A_176 : memref<64x768xf32, #tpu.memory_space<vmem>>) target(%dma_start3A_172 : memref<64x768xf32, #tpu.memory_space<hbm>>) target_semaphore(%arg11 : memref<!tpu.dma_semaphore, #tpu.memory_space<semaphore_mem>>)
      %ge3A_177 = arith.constant 1 : i32
      %ge3A_178 = arith.cmpi sge, %add3A_150, %ge3A_177 : i32
      %convert_element_type3A_179 = arith.extui %ge3A_178 : i1 to i32
      %cond3A_180 = arith.constant 0 : i32
      %cond3A_181 = arith.cmpi ne, %convert_element_type3A_179, %cond3A_180 : i32
      scf.if %cond3A_181 {
        %sub3A_191 = arith.constant 1 : i32
        %sub3A_192 = arith.subi %add3A_150, %sub3A_191 : i32
        %mul3A_193 = arith.constant 64 : i32
        %mul3A_194 = arith.muli %sub3A_192, %mul3A_193 : i32
        %add3A_195 = arith.addi %mul3A_2, %mul3A_194 : i32
        %dma_wait3A_196 = arith.constant 0 : i32
        %dma_wait3A_197 = arith.constant 0 : i32
        %dma_wait3A_198 = arith.constant 0 : i32
        %dma_wait3A_199 = tpu.memref_slice %arg7[%dma_wait3A_196, %dma_wait3A_197, %dma_wait3A_198] : memref<2x64x768xf32, #tpu.memory_space<vmem>> -> memref<1x64x768xf32, #tpu.memory_space<vmem>>
        %dma_wait3A_200 = tpu.memref_squeeze %dma_wait3A_199 : memref<1x64x768xf32, #tpu.memory_space<vmem>> -> memref<64x768xf32, #tpu.memory_space<vmem>>
        %dma_wait3A_201 = arith.constant 0 : i32
        %dma_wait3A_202 = tpu.memref_slice %arg4[%add3A_195, %dma_wait3A_201] : memref<32768x768xf32, #tpu.memory_space<hbm>> -> memref<64x768xf32, #tpu.memory_space<hbm>>
        %dma_wait3A_203 = arith.constant 0 : i32
        %dma_wait3A_204 = tpu.memref_slice %arg4[%add3A_195, %dma_wait3A_203] : memref<32768x768xf32, #tpu.memory_space<hbm>> -> memref<64x768xf32, #tpu.memory_space<hbm>>
        %dma_wait3A_205 = arith.constant 0 : i32
        %dma_wait3A_206 = arith.constant 0 : i32
        %dma_wait3A_207 = tpu.memref_slice %arg7[%dma_wait3A_196, %dma_wait3A_205, %dma_wait3A_206] : memref<2x64x768xf32, #tpu.memory_space<vmem>> -> memref<1x64x768xf32, #tpu.memory_space<vmem>>
        %dma_wait3A_208 = tpu.memref_squeeze %dma_wait3A_207 : memref<1x64x768xf32, #tpu.memory_space<vmem>> -> memref<64x768xf32, #tpu.memory_space<vmem>>
        tpu.wait_dma2 semaphore(%arg10 : memref<!tpu.dma_semaphore, #tpu.memory_space<semaphore_mem>>) src(%dma_wait3A_208 : memref<64x768xf32, #tpu.memory_space<vmem>>) dst(%dma_wait3A_204 : memref<64x768xf32, #tpu.memory_space<hbm>>)
      } else {
      }
      %add3A_182 = arith.constant 2 : i32
      %add3A_183 = arith.addi %add3A_150, %add3A_182 : i32
      %sub3A_184 = arith.constant 1 : i32
      %sub3A_185 = arith.subi %add3A_183, %sub3A_184 : i32
      %lt3A_186 = arith.constant 16 : i32
      %lt3A_187 = arith.cmpi slt, %sub3A_185, %lt3A_186 : i32
      %convert_element_type3A_188 = arith.extui %lt3A_187 : i1 to i32
      %cond3A_189 = arith.constant 0 : i32
      %cond3A_190 = arith.cmpi ne, %convert_element_type3A_188, %cond3A_189 : i32
      scf.if %cond3A_190 {
        %mul3A_191 = arith.constant 64 : i32
        %mul3A_192 = arith.muli %sub3A_185, %mul3A_191 : i32
        %add3A_193 = arith.addi %mul3A_2, %mul3A_192 : i32
        %jit3A_194 = arith.constant 256 : i32
        %div3A_195 = arith.divsi %add3A_193, %jit3A_194 : i32
        %sign3A_196 = arith.constant 0 : i32
        %sign3A_197 = arith.cmpi sgt, %add3A_193, %sign3A_196 : i32
        %sign3A_198 = arith.extui %sign3A_197 : i1 to i32
        %sign3A_199 = arith.constant 0 : i32
        %sign3A_200 = arith.cmpi slt, %add3A_193, %sign3A_199 : i32
        %sign3A_201 = arith.extui %sign3A_200 : i1 to i32
        %sign3A_202 = arith.subi %sign3A_198, %sign3A_201 : i32
        %sign3A_203 = arith.constant 0 : i32
        %sign3A_204 = arith.cmpi sgt, %jit3A_194, %sign3A_203 : i32
        %sign3A_205 = arith.extui %sign3A_204 : i1 to i32
        %sign3A_206 = arith.constant 0 : i32
        %sign3A_207 = arith.cmpi slt, %jit3A_194, %sign3A_206 : i32
        %sign3A_208 = arith.extui %sign3A_207 : i1 to i32
        %sign3A_209 = arith.subi %sign3A_205, %sign3A_208 : i32
        %ne3A_210 = arith.cmpi ne, %sign3A_202, %sign3A_209 : i32
        %rem3A_211 = arith.remsi %add3A_193, %jit3A_194 : i32
        %ne3A_212 = arith.constant 0 : i32
        %ne3A_213 = arith.cmpi ne, %rem3A_211, %ne3A_212 : i32
        %and3A_214 = arith.andi %ne3A_210, %ne3A_213 : i1
        %sub3A_215 = arith.constant 1 : i32
        %sub3A_216 = arith.subi %div3A_195, %sub3A_215 : i32
        %select_n3A_217 = arith.select %and3A_214, %sub3A_216, %div3A_195 : i32
        %mul3A_218 = arith.constant 256 : i32
        %mul3A_219 = arith.muli %select_n3A_217, %mul3A_218 : i32
        %jit3A_220 = arith.constant 256 : i32
        %eq3A_221 = arith.constant 0 : i32
        %eq3A_222 = arith.cmpi eq, %jit3A_220, %eq3A_221 : i32
        %jit3A_223 = arith.constant 1 : i32
        %select_n3A_224 = arith.select %eq3A_222, %jit3A_223, %jit3A_220 : i32
        %rem3A_225 = arith.remsi %add3A_193, %select_n3A_224 : i32
        %ne3A_226 = arith.constant 0 : i32
        %ne3A_227 = arith.cmpi ne, %rem3A_225, %ne3A_226 : i32
        %lt3A_228 = arith.constant 0 : i32
        %lt3A_229 = arith.cmpi slt, %rem3A_225, %lt3A_228 : i32
        %lt3A_230 = arith.constant 0 : i32
        %lt3A_231 = arith.cmpi slt, %select_n3A_224, %lt3A_230 : i32
        %ne3A_232 = arith.xori %lt3A_229, %lt3A_231 : i1
        %and3A_233 = arith.andi %ne3A_232, %ne3A_227 : i1
        %add3A_234 = arith.addi %rem3A_225, %select_n3A_224 : i32
        %select_n3A_235 = arith.select %and3A_233, %add3A_234, %rem3A_225 : i32
        %add3A_236 = arith.constant 0 : i32
        %add3A_237 = arith.addi %select_n3A_235, %add3A_236 : i32
        %get3A_238 = arith.index_cast %add3A_237 : i32 to index
        %get3A_239 = tpu.vector_load %arg5[%get3A_238] {strides = array<i32>} : memref<256xi32, #tpu.memory_space<vmem>>, vector<16xi32>,
        %get3A_240 = vector.shape_cast %get3A_239 : vector<16xi32> to vector<16xi32>
        %add3A_241 = vector.broadcast %mul3A_219 : i32 to vector<16xi32>
        %add3A_242 = arith.addi %get3A_240, %add3A_241 : vector<16xi32>
        %swap3A_243 = arith.constant 0 : index
        %swap3A_244 = tpu.vector_load %arg6[%swap3A_243] {strides = array<i32>} : memref<128xi32, #tpu.memory_space<vmem>>, vector<16xi32>,
        %swap3A_245 = vector.shape_cast %swap3A_244 : vector<16xi32> to vector<16xi32>
        %swap3A_246 = vector.shape_cast %add3A_242 : vector<16xi32> to vector<16xi32>
        tpu.vector_store %arg6[%swap3A_243], %swap3A_246 {strides = array<i32>} : memref<128xi32, #tpu.memory_space<vmem>>, vector<16xi32>,
        %add3A_247 = arith.constant 16 : i32
        %add3A_248 = arith.addi %select_n3A_235, %add3A_247 : i32
        %get3A_249 = arith.index_cast %add3A_248 : i32 to index
        %get3A_250 = tpu.vector_load %arg5[%get3A_249] {strides = array<i32>} : memref<256xi32, #tpu.memory_space<vmem>>, vector<16xi32>,
        %get3A_251 = vector.shape_cast %get3A_250 : vector<16xi32> to vector<16xi32>
        %add3A_252 = vector.broadcast %mul3A_219 : i32 to vector<16xi32>
        %add3A_253 = arith.addi %get3A_251, %add3A_252 : vector<16xi32>
        %swap3A_254 = arith.constant 16 : index
        %swap3A_255 = tpu.vector_load %arg6[%swap3A_254] {strides = array<i32>} : memref<128xi32, #tpu.memory_space<vmem>>, vector<16xi32>,
        %swap3A_256 = vector.shape_cast %swap3A_255 : vector<16xi32> to vector<16xi32>
        %swap3A_257 = vector.shape_cast %add3A_253 : vector<16xi32> to vector<16xi32>
        tpu.vector_store %arg6[%swap3A_254], %swap3A_257 {strides = array<i32>} : memref<128xi32, #tpu.memory_space<vmem>>, vector<16xi32>,
        %add3A_258 = arith.constant 32 : i32
        %add3A_259 = arith.addi %select_n3A_235, %add3A_258 : i32
        %get3A_260 = arith.index_cast %add3A_259 : i32 to index
        %get3A_261 = tpu.vector_load %arg5[%get3A_260] {strides = array<i32>} : memref<256xi32, #tpu.memory_space<vmem>>, vector<16xi32>,
        %get3A_262 = vector.shape_cast %get3A_261 : vector<16xi32> to vector<16xi32>
        %add3A_263 = vector.broadcast %mul3A_219 : i32 to vector<16xi32>
        %add3A_264 = arith.addi %get3A_262, %add3A_263 : vector<16xi32>
        %swap3A_265 = arith.constant 32 : index
        %swap3A_266 = tpu.vector_load %arg6[%swap3A_265] {strides = array<i32>} : memref<128xi32, #tpu.memory_space<vmem>>, vector<16xi32>,
        %swap3A_267 = vector.shape_cast %swap3A_266 : vector<16xi32> to vector<16xi32>
        %swap3A_268 = vector.shape_cast %add3A_264 : vector<16xi32> to vector<16xi32>
        tpu.vector_store %arg6[%swap3A_265], %swap3A_268 {strides = array<i32>} : memref<128xi32, #tpu.memory_space<vmem>>, vector<16xi32>,
        %add3A_269 = arith.constant 48 : i32
        %add3A_270 = arith.addi %select_n3A_235, %add3A_269 : i32
        %get3A_271 = arith.index_cast %add3A_270 : i32 to index
        %get3A_272 = tpu.vector_load %arg5[%get3A_271] {strides = array<i32>} : memref<256xi32, #tpu.memory_space<vmem>>, vector<16xi32>,
        %get3A_273 = vector.shape_cast %get3A_272 : vector<16xi32> to vector<16xi32>
        %add3A_274 = vector.broadcast %mul3A_219 : i32 to vector<16xi32>
        %add3A_275 = arith.addi %get3A_273, %add3A_274 : vector<16xi32>
        %swap3A_276 = arith.constant 48 : index
        %swap3A_277 = tpu.vector_load %arg6[%swap3A_276] {strides = array<i32>} : memref<128xi32, #tpu.memory_space<vmem>>, vector<16xi32>,
        %swap3A_278 = vector.shape_cast %swap3A_277 : vector<16xi32> to vector<16xi32>
        %swap3A_279 = vector.shape_cast %add3A_275 : vector<16xi32> to vector<16xi32>
        tpu.vector_store %arg6[%swap3A_276], %swap3A_279 {strides = array<i32>} : memref<128xi32, #tpu.memory_space<vmem>>, vector<16xi32>,
        %dma_start3A_280 = arith.constant 0 : i32
        %dma_start3A_281 = arith.constant 0 : i32
        %dma_start3A_282 = arith.constant 0 : i32
        %dma_start3A_283 = tpu.memref_slice %arg7[%dma_start3A_280, %dma_start3A_281, %dma_start3A_282] : memref<2x64x768xf32, #tpu.memory_space<vmem>> -> memref<1x64x768xf32, #tpu.memory_space<vmem>>
        %dma_start3A_284 = tpu.memref_squeeze %dma_start3A_283 : memref<1x64x768xf32, #tpu.memory_space<vmem>> -> memref<64x768xf32, #tpu.memory_space<vmem>>
        %dma_start3A_285 = arith.constant 0 : i32
        %dma_start3A_286 = tpu.memref_slice %arg6[%dma_start3A_285] : memref<128xi32, #tpu.memory_space<vmem>> -> memref<64xi32, #tpu.memory_space<vmem>>
        %dma_start3A_287 = arith.constant 0 : i32
        %dma_start3A_288 = arith.constant 0 : i32
        %dma_start3A_289 = tpu.memref_slice %arg2[%dma_start3A_287, %dma_start3A_288] : memref<32768x768xf32, #tpu.memory_space<hbm>> -> memref<32768x768xf32, #tpu.memory_space<hbm>>
        tpu.enqueue_indirect_dma source(%dma_start3A_289 : memref<32768x768xf32, #tpu.memory_space<hbm>>) target(%dma_start3A_284 : memref<64x768xf32, #tpu.memory_space<vmem>>) offsets(%dma_start3A_286 : memref<64xi32, #tpu.memory_space<vmem>>) semaphore(%arg8 : memref<!tpu.dma_semaphore, #tpu.memory_space<semaphore_mem>>)
      } else {
      }
    }
    %scan3A_92 = arith.constant 8 : i32
    %add3A_93 = arith.constant 960 : i32
    %add3A_94 = arith.addi %mul3A_2, %add3A_93 : i32
    %dma_wait3A = arith.constant 1 : i32
    %dma_wait3A_95 = arith.constant 0 : i32
    %dma_wait3A_96 = arith.constant 0 : i32
    %dma_wait3A_97 = tpu.memref_slice %arg7[%dma_wait3A, %dma_wait3A_95, %dma_wait3A_96] : memref<2x64x768xf32, #tpu.memory_space<vmem>> -> memref<1x64x768xf32, #tpu.memory_space<vmem>>
    %dma_wait3A_98 = tpu.memref_squeeze %dma_wait3A_97 : memref<1x64x768xf32, #tpu.memory_space<vmem>> -> memref<64x768xf32, #tpu.memory_space<vmem>>
    %dma_wait3A_99 = arith.constant 0 : i32
    %dma_wait3A_100 = tpu.memref_slice %arg4[%add3A_94, %dma_wait3A_99] : memref<32768x768xf32, #tpu.memory_space<hbm>> -> memref<64x768xf32, #tpu.memory_space<hbm>>
    %dma_wait3A_101 = arith.constant 0 : i32
    %dma_wait3A_102 = tpu.memref_slice %arg4[%add3A_94, %dma_wait3A_101] : memref<32768x768xf32, #tpu.memory_space<hbm>> -> memref<64x768xf32, #tpu.memory_space<hbm>>
    %dma_wait3A_103 = arith.constant 0 : i32
    %dma_wait3A_104 = arith.constant 0 : i32
    %dma_wait3A_105 = tpu.memref_slice %arg7[%dma_wait3A, %dma_wait3A_103, %dma_wait3A_104] : memref<2x64x768xf32, #tpu.memory_space<vmem>> -> memref<1x64x768xf32, #tpu.memory_space<vmem>>
    %dma_wait3A_106 = tpu.memref_squeeze %dma_wait3A_105 : memref<1x64x768xf32, #tpu.memory_space<vmem>> -> memref<64x768xf32, #tpu.memory_space<vmem>>
    tpu.wait_dma2 semaphore(%arg11 : memref<!tpu.dma_semaphore, #tpu.memory_space<semaphore_mem>>) src(%dma_wait3A_106 : memref<64x768xf32, #tpu.memory_space<vmem>>) dst(%dma_wait3A_102 : memref<64x768xf32, #tpu.memory_space<hbm>>)
    return
  }
}

</mosaic_0001>

<sc_bundles>
// kernel: kernel.3.cloned.1.call-start
scs
__scs_entry_jumppad:
0x0: {  	(pc) =	sbr.rel $0x88, $3  }
0x1: {  	(tag) =	ssettag $0x0;
	lr =	simm.s32 $0x1  }
0x2: {  	[smem:$0x3F9F] =	sst lr;
	_ =	strace $0xD0000000  }
0x3: {  	_ = 	snop  }
0x4: {  	_ = 	snop  }
0x5: {  	_ = 	snop  }
0x6: {  	_ = 	snop  }
0x7: {  	_ = 	snop  }
__scs_overlays_trampoline_lowered:
0x8: {  	[smem:$0x3FAE] =	sst s0  }
0x9: {  	[smem:$0x3FAF] =	sst s1  }
0xa: {  	[smem:$0x3FB0] =	sst s2  }
0xb: {  	[smem:$0x3FB1] =	sst s3  }
0xc: {  	[smem:$0x3FB2] =	sst s4  }
0xd: {  	[smem:$0x3FB3] =	sst s5  }
0xe: {  	[smem:$0x3FB4] =	sst s6  }
0xf: {  	[smem:$0x3FB5] =	sst s7  }
0x10: {  	[smem:$0x3FB6] =	sst s8  }
0x11: {  	[smem:$0x3FB7] =	sst s9;
	s0 =	simm.s32 @!p0 $0x0  }
0x12: {  	s1 =	sld [smem:$0x3F9D];
	s0 =	simm.s32 @p0 $0x1  }
0x13: {  	[smem:$0x3FB8] =	sst s0;
	s0 =	simm.s32 @!p1 $0x0  }
0x14: {  	s2 =	sld [smem:$0x3F9C];
	s0 =	simm.s32 @p1 $0x1  }
0x15: {  	[smem:$0x3FB9] =	sst s0;
	s0 =	simm.s32 @!p2 $0x0  }
0x16: {  	s3 =	sld [smem:$0x3FDB];
	s0 =	simm.s32 @p2 $0x1  }
0x17: {  	s4 =	simm.s32 $0x1BF5;
	[smem:$0x3FBB] =	sst s0  }
0x18: {  	s0 =	sld [smem:$0x3F9E];
	_ =	swait.ge [sflag:s4], $0x0  }
0x19: {  	s7 =	sld [smem:$0x3F9F]  }
0x1a: {  	s8 =	sadd.s32 $0xFFFFE003, lr  }
0x1b: {  	s9 =	sadd.s32 $0xFFFFFEF7, lr;
	s5 =	simm.s32 $0xFFFFFFFF;
	p2 =	slt.u32 s8, $0xFFFFF086  }
0x1c: {  	p1 =	slt.u32 s9, $0xF7A;
	s5 =	simm.s32 @!p2 $0x0  }
0x1d: {  	s5 =	simm.s32 @p1 $0x1;
	p0 =	seq.s32 s7, s2  }
0x1e: {  	s7 =	smul.u32 @!p0 $0xF7A, s2;
	p2 =	seq.s32 @!p0 s5, $0x0  }
0x1f: {  	s9 =	smul.u32 $0xF7A, s1;
	s8 =	simm.s32 @!p0 $0x1BF5;
	p2 =	por !p2, p0  }
0x20: {  	[sflag:s8] =	ssyncset.s32 @!p0 $0xFFFFF086;
	s6 =	sadd.s32 @!p0 s3, s7;
	s7 =	simm.s32 @!p0 $0x108  }
0x21: {  	s3 =	sadd.s32 s3, s9;
	s6 =	sadd.s32 @!p0 $0x88, s6;
	s7 =	simm.s32 @p2 $0x1082  }
0x22: {  	[simem:s7], [sflag:s8] =	dma.local @!p0 [hbm:s6], $0xF7A  }
0x23: {  	s9 =	sor.u32 $0xD0000000, s2;
	s6 =	simm.s32 $0x108;
	_ =	swait.ge @!p0 [sflag:s8], $0x0  }
0x24: {  	s3 =	sadd.s32 $0x88, s3;
	s6 =	simm.s32 @!p1 $0x1082;
	[sflag:s4] =	ssyncset.s32 $0xFFFFF086  }
0x25: {  	[simem:s6], [sflag:s4] =	dma.local [hbm:s3], $0xF7A  }
0x26: {  	[smem:$0x3F9F] =	sst s1;
	(tag) =	ssettag s2;
	_ =	strace s9  }
0x27: {  	s1 =	sld [smem:$0x3FAF]  }
0x28: {  	s2 =	sld [smem:$0x3FB0]  }
0x29: {  	s4 =	sld [smem:$0x3FB2]  }
0x2a: {  	p0 =	seq.s32 s5, $0x0;
	s5 =	sld [smem:$0x3FB3]  }
0x2b: {  	s6 =	sld [smem:$0x3FB4]  }
0x2c: {  	s7 =	sld [smem:$0x3FB5]  }
0x2d: {  	s3 =	simm.s32 $0x108;
	s8 =	sld [smem:$0x3FB6]  }
0x2e: {  	s3 =	simm.s32 @!p0 $0x1082;
	s9 =	sld [smem:$0x3FB7]  }
0x2f: {  	lr =	sadd.s32 s0, s3;
	s0 =	sld [smem:$0x3FAE]  }
0x30: {  	s3 =	sld [smem:$0x3FB1]  }
0x31: {  	[smem:$0x3FBA] =	sst s10  }
0x32: {  	s10 =	sld [smem:$0x3FB8];
	_ =	sdelay $0x3  }
0x33: {  	p0 =	seq.s32 s10, $0x1;
	s10 =	sld [smem:$0x3FBA];
	_ =	sdelay $0x3  }
0x34: {  	[smem:$0x3FBA] =	sst s10  }
0x35: {  	s10 =	sld [smem:$0x3FB9];
	_ =	sdelay $0x3  }
0x36: {  	p1 =	seq.s32 s10, $0x1;
	s10 =	sld [smem:$0x3FBA];
	_ =	sdelay $0x3  }
0x37: {  	[smem:$0x3FBA] =	sst s10  }
0x38: {  	s10 =	sld [smem:$0x3FBB]  }
0x39: {  	_ = 	snop;
	(pc) =	sbr.ind lr, $3  }
0x3a: {  	_ = 	snop  }
0x3b: {  	_ = 	snop  }
0x3c: {  	p2 =	seq.s32 s10, $0x1;
	s10 =	sld [smem:$0x3FBA]  }
0x3d: {  	_ =	shalt  }
0x3e: {  	_ =	shalt  }
0x3f: {  	_ =	shalt  }
0x40: {  	_ =	shalt  }
0x41: {  	_ =	shalt  }
0x42: {  	_ =	shalt  }
0x43: {  	_ =	shalt  }
0x44: {  	_ =	shalt  }
0x45: {  	_ =	shalt  }
0x46: {  	_ =	shalt  }
0x47: {  	_ =	shalt  }
0x48: {  	_ =	shalt  }
0x49: {  	_ =	shalt  }
0x4a: {  	_ =	shalt  }
0x4b: {  	_ =	shalt  }
0x4c: {  	_ =	shalt  }
0x4d: {  	_ =	shalt  }
0x4e: {  	_ =	shalt  }
0x4f: {  	_ =	shalt  }
0x50: {  	_ =	shalt  }
0x51: {  	_ =	shalt  }
0x52: {  	_ =	shalt  }
0x53: {  	_ =	shalt  }
0x54: {  	_ =	shalt  }
0x55: {  	_ =	shalt  }
0x56: {  	_ =	shalt  }
0x57: {  	_ =	shalt  }
0x58: {  	_ =	shalt  }
0x59: {  	_ =	shalt  }
0x5a: {  	_ =	shalt  }
0x5b: {  	_ =	shalt  }
0x5c: {  	_ =	shalt  }
0x5d: {  	_ =	shalt  }
0x5e: {  	_ =	shalt  }
0x5f: {  	_ =	shalt  }
0x60: {  	_ =	shalt  }
0x61: {  	_ =	shalt  }
0x62: {  	_ =	shalt  }
0x63: {  	_ =	shalt  }
0x64: {  	_ =	shalt  }
0x65: {  	_ =	shalt  }
0x66: {  	_ =	shalt  }
0x67: {  	_ =	shalt  }
0x68: {  	_ =	shalt  }
0x69: {  	_ =	shalt  }
0x6a: {  	_ =	shalt  }
0x6b: {  	_ =	shalt  }
0x6c: {  	_ =	shalt  }
0x6d: {  	_ =	shalt  }
0x6e: {  	_ =	shalt  }
0x6f: {  	_ =	shalt  }
0x70: {  	_ =	shalt  }
0x71: {  	_ =	shalt  }
0x72: {  	_ =	shalt  }
0x73: {  	_ =	shalt  }
0x74: {  	_ =	shalt  }
0x75: {  	_ =	shalt  }
0x76: {  	_ =	shalt  }
0x77: {  	_ =	shalt  }
0x78: {  	_ =	shalt  }
0x79: {  	_ =	shalt  }
0x7a: {  	_ =	shalt  }
0x7b: {  	_ =	shalt  }
0x7c: {  	_ =	shalt  }
0x7d: {  	_ =	shalt  }
0x7e: {  	_ =	shalt  }
0x7f: {  	_ =	shalt  }
0x80: {  	_ =	shalt  }
0x81: {  	_ =	shalt  }
0x82: {  	_ =	shalt  }
0x83: {  	_ =	shalt  }
0x84: {  	_ =	shalt  }
0x85: {  	_ =	shalt  }
0x86: {  	_ =	shalt  }
0x87: {  	_ =	shalt  }
.Lfunc_end0:
.L_simem_size_0:
called_computation_lowered:
.L_overlay_start_0:
0x88: {  	s2 =	sld [smem:$0x3FD9]  }
0x89: {  	s3 =	sld [smem:$0x3FFE];
	_ =	sdelay $0x1  }
0x8a: {  	s1 =	srdreg.scid  }
0x8b: {  	s0 =	sand.u32 $0x1, s1  }
0x8c: {  	s18 =	sshll.u32 s0, $0xA;
	s2 =	sadd.s32 s3, s2  }
0x8d: {  	s2 =	sadd.s32 s2, s18  }
0x8e: {  	[smem:$0x3FC6] =	sst s2  }
0x8f: {  	_ = 	snop  }
0x90: {  	s2 =	sld [smem:$0x3FC9]  }
0x91: {  	s19 =	sld [smem:$0x3FC8]  }
0x92: {  	s4 =	sld [smem:$0x3FD0];
	(tm) =	ssettm $0x1  }
0x93: {  	s5 =	sld [smem:$0x3FFB];
	_ =	sdelay $0x3  }
0x94: {  	_ =	strace s5  }
0x95: {  	s5 =	sld [smem:$0x3FFC];
	_ =	sdelay $0x3  }
0x96: {  	_ =	strace s5  }
0x97: {  	s5 =	sld [smem:$0x3FFD];
	_ =	sdelay $0x3  }
0x98: {  	_ =	strace s5  }
0x99: {  	_ =	strace $0x8FFFFFFF  }
0x9a: {  	s20 =	sld [smem:$0x3FDB];
	_ =	sdelay $0x1  }
0x9b: {  	s6 =	simm.s32 $_scs_section_size  }
0x9c: {  	s7 =	simm.s32 $_size__tile_overlayer_lowered;
	s8 =	simm.s32 $_tile_overlayer_lowered  }
0x9d: {  	s23 =	simm.s32 $0x1BFF;
	s22 =	sshll.u32 s8, $0x1;
	s5 =	sadd.s32 s6, s20  }
0x9e: {  	s9 =	simm.s32 $0x0;
	s21 =	sshll.u32 s7, $0x1;
	s7 =	sadd.s32 s22, s5  }
0x9f: {  	[timem:s9], [sflag:s23] =	dma.local [hbm:s7], s21  }
0xa0: {  	_ =	swait.ge [sflag:s23], s21  }
0xa1: {  	s6 =	ssub.s32 $0x0, s21;
	[sflag:s23] =	ssyncset.done $0x0  }
0xa2: {  	[sflag:s23] =	ssyncadd.s32 s6;
	_ =	sdelay $0x1  }
0xa3: {  	s24 =	simm.s32 $0x1B8B  }
0xa4: {  	_ =	swait.ge [sflag:s24], $0x1  }
0xa5: {  	[sflag:s24] =	ssyncset.done $0x0  }
0xa6: {  	s25 =	simm.s32 $0x1B8E;
	[sflag:s24] =	ssyncadd.s32 $0xFFFFFFFF  }
0xa7: {  	s26 =	simm.s32 $execute0_lowered;
	[smem:$0x3FD2] =	sst s25  }
0xa8: {  	s6 =	sshll.u32 s26, $0x1;
	_ =	strace $0x80000046;
	[dreg:$0x1] =	wrdreg $0xFFFFFFFF  }
0xa9: {  	s28 =	simm.s32 $_size_execute0_lowered;
	s5 =	sadd.s32 s5, s6;
	[dreg:$0x0] =	wrdreg $0x0  }
0xaa: {  	s6 =	sshll.u32 s28, $0x1;
	[dreg:$0x2] =	wrdreg s5  }
0xab: {  	[dreg:$0x3] =	wrdreg s6  }
0xac: {  	[dreg:$0x4] =	wrdreg $0xC0  }
0xad: {  	_ =	task [dreg:s9], $0x5FFFF  }
0xae: {  	[dreg:$0x1] =	wrdreg $0xFFFFFFFF  }
0xaf: {  	[dreg:$0x0] =	wrdreg $0x60  }
0xb0: {  	[dreg:$0x2] =	wrdreg s2  }
0xb1: {  	[dreg:$0x3] =	wrdreg s19  }
0xb2: {  	[dreg:$0x4] =	wrdreg s4  }
0xb3: {  	[dreg:$0x5] =	wrdreg $0x9  }
0xb4: {  	_ =	task.clear_ibuf [dreg:s9], $0x6FFFF;
	_ =	strace $0x90000046  }
0xb5: {  	s29 =	simm.s32 $0x9;
	_ =	strace $0x80000048  }
0xb6: {  	_ =	swait.ge [sflag:s29], $0x1  }
0xb7: {  	[sflag:s29] =	ssyncadd.s32 $0xFFFFFFFF  }
0xb8: {  	_ =	strace $0x90000048  }
0xb9: {  	_ =	sfence  }
0xba: {  	s30 =	sld [smem:$0x0];
	_ =	sdelay $0x2  }
0xbb: {  	s31 =	sshll.u32 s1, $0xD;
	s1 =	sshrl.u32 s1, $0x2  }
0xbc: {  	s3 =	sand.u32 $0x4000, s31;
	s1 =	sadd.s32 s1, s30  }
0xbd: {  	s0 =	sor.u32 s3, s0;
	s1 =	sshll.u32 s1, $0x11  }
0xbe: {  	s0 =	sor.u32 s1, s0  }
0xbf: {  	s0 =	sadd.s32 $0x8F2B, s0  }
0xc0: {  	[sflag:s0] =	ssyncadd.remote.s32 $0x1  }
0xc1: {  	_ =	sfence.sel $0xFFFF  }
0xc2: {  	[dreg:$0x0] =	wrdreg $0xFFFFFFFF;
	(pc) =	sbr.abs _section_cstart, $3  }
0xc3: {  	[dreg:$0x1] =	wrdreg $0xFFFFFFFF  }
0xc4: {  	_ =	task.clear_ibuf [dreg:s9], $0x2FFFF;
	_ =	strace $0x9FFFFFFF  }
0xc5: {  	(tm) =	ssettm $0x7FFFFFFF  }
tec
execute0_lowered:
.L_overlay_start_1:
0x0: {  	(tag) =	ssettag $0x1  }
0x1: {  	s1 =	rddreg [dreg:$0x0];
	s0 =	srdreg.scid  }
0x2: {  	s3 =	stileid.u32;
	s2 =	rddreg [dreg:$0x2];
	s4 =	simm.s32 $0x0  }
0x3: {  	s12 =	simm.s32 $0x180;
	s10 =	simm.s32 $0x1;
	s11 =	simm.s32 $0xC180  }
0x4: {  	s20 =	simm.s32 $0x10180;
	s21 =	simm.s32 $0x10980;
	s22 =	simm.s32 $0x11180  }
0x5: {  	s23 =	simm.s32 $0x11980;
	s24 =	simm.s32 $0x12180;
	s28 =	simm.s32 $0x13980  }
0x6: {  	s29 =	simm.s32 $0x14180;
	s30 =	simm.s32 $0x14980;
	s31 =	simm.s32 $0x15180  }
0x7: {  	s9 =	simm.s32 $0x17980;
	s13 =	simm.s32 $0x2;
	s0 =	sand.u32 $0x1, s0  }
0x8: {  	s14 =	simm.s32 $0x3;
	s3 =	sshll.u32 s3, $0xB;
	s5 =	sshll.u32 s0, $0xA  }
0x9: {  	s17 =	simm.s32 $0x0;
	[smem:$0x7FF] =	sst s4;
	s5 =	sor.u32 s5, s3  }
0xa: {  	s0 =	ssub.s32 $0x2, s0;
	s3 =	sshrl.u32 s5, $0x3;
	s6 =	sor.u32 $0x40, s5  }
0xb: {  	s7 =	sshrl.u32 s0, $0x1;
	s3 =	smul.u32 $0x300, s3;
	s6 =	sshrl.u32 s6, $0x3  }
0xc: {  	_ =	strace $0x80000047;
	s0 =	ssub.s32 s0, s7;
	s8 =	smul.u32 $0x300, s6  }
.Ltmp0:
0xd: {  	s7 =	sadd.s32 $0x200, s1;
	s0 =	smax.u32 s0, $0x1;
	(pc) =	sbr.rel .LBB2_1-.Ltmp0, $4  }
0xe: {  	s6 =	sadd.s32 $0x100, s1;
	[dreg:$0x4] =	wrdreg s0;
	s25 =	sadd.s32 s3, s2  }
0xf: {  	v3 =	vlaneseq.u32;
	s0 =	simm.s32 $0x16180;
	s3 =	simm.s32 $0x16980;
	[dreg:$0x5] =	wrdreg s25  }
0x10: {  	vm0 =	vmmov $0xffff;
	v1 =	vand.u32 $0x7, v3;
	v2 =	vshrl.u32 v3, $0x3;
	s26 =	sadd.s32 s8, s2;
	s25 =	simm.s32 $0x12980;
	s2 =	simm.s32 $0x15980  }
0x11: {  	v3 =	vor.u32 $0x8, v3;
	v2 =	vmul.u32 $0x8, v2;
	v0 =	vmov s5;
	s8 =	simm.s32 $0x17180;
	[dreg:$0x6] =	wrdreg s26;
	s26 =	simm.s32 $0x13180  }
.LBB2_4:
0x12: {  	s16 =	simm.s32 $0x4  }
0x13: {  	_ =	swait.ge [sflag:s16], $0xC000  }
0x14: {  	s17 =	rddreg [dreg:$0x7]  }
0x15: {  	s15 =	rddreg [dreg:$0x4];
	s17 =	sadd.s32 $0x1, s17  }
0x16: {  	p0 =	sne.s32 s17, s15  }
.Ltmp1:
0x17: {  	_ = 	snop;
	(pc) =	sbr.rel @!p0 .LBB2_5-.Ltmp1, $3  }
0x18: {  	_ =	sdelay $0x1  }
0x19: {  	[sflag:s16] =	ssyncset.done $0x0  }
0x1a: {  	[sflag:s16] =	ssyncadd.s32 $0xFFFF4000  }
.LBB2_1:
0x1b: {  	[dreg:$0x7] =	wrdreg s17  }
0x1c: {  	s15 =	rddreg [dreg:$0x1];
	s16 =	simm.s32 $0x5  }
0x1d: {  	[tilespmem:s4], [sflag:$0x5] =	stream.linear.gather [hbm4b:s15+s4], $0x100, $0x38;
	[tilespmem:$0x18180] =	vst v63  }
0x1e: {  	_ =	swait.ge [sflag:s16], $0x100  }
0x1f: {  	[sflag:s16] =	ssyncset.done $0x0  }
0x20: {  	[sflag:s16] =	ssyncadd.s32 $0xFFFFFF00  }
0x21: {  	v4 =	vld [tilespmem:$0x0];
	_ =	sdelay $0x4  }
0x22: {  	v5 =	vadd.s32 v0, v4  }
0x23: {  	v6 =	vshrl.u32 v5, $0x3  }
0x24: {  	v6 =	vmul.u32 $0x30, v6  }
0x25: {  	v7 =	vld [tilespmem:$0x10];
	v4 =	vand.u32 $0x7, v4  }
0x26: {  	v8 =	vld [tilespmem:$0x20];
	v4 =	vor.u32 v4, v6  }
0x27: {  	v63 =	vld [tilespmem:$0x30];
	v9 =	vperm.xlane v4, v1;
	_ =	sdelay $0x1  }
0x28: {  	v9 =	vadd.s32 v2, v9  }
0x29: {  	[tilespmem:$0x100] =	vst v5;
	v5 =	vadd.s32 v0, v7  }
0x2a: {  	[tilespmem:$0x110] =	vst v5;
	v5 =	vadd.s32 v0, v8  }
0x2b: {  	[tilespmem:$0x120] =	vst v5;
	v5 =	vadd.s32 v0, v63  }
0x2c: {  	[tilespmem:$0x130] =	vst v5;
	v4 =	vperm.xlane v4, v3  }
0x2d: {  	[tilespmem:s12], [sflag:$0x1] =	stream.indirect_vreg.gather [hbm4b:s1+s4], $0x80, v9, vm0, $0xb8;
	[tilespmem:$0x18180] =	vst v63  }
0x2e: {  	s17 =	simm.s32 $0x980;
	v4 =	vadd.s32 v2, v4  }
0x2f: {  	[tilespmem:s17], [sflag:$0x1] =	stream.indirect_vreg.gather [hbm4b:s6+s4], $0x80, v9, vm0, $0xb8;
	[tilespmem:$0x18180] =	vst v63  }
0x30: {  	s18 =	simm.s32 $0x1180  }
0x31: {  	[tilespmem:s18], [sflag:$0x1] =	stream.indirect_vreg.gather [hbm4b:s7+s4], $0x80, v9, vm0, $0xb8;
	[tilespmem:$0x18180] =	vst v63  }
0x32: {  	s19 =	simm.s32 $0x1980  }
0x33: {  	[tilespmem:s19], [sflag:$0x1] =	stream.indirect_vreg.gather [hbm4b:s1+s4], $0x80, v4, vm0, $0xb8;
	[tilespmem:$0x18180] =	vst v63  }
0x34: {  	s16 =	simm.s32 $0x2180  }
0x35: {  	[tilespmem:s16], [sflag:$0x1] =	stream.indirect_vreg.gather [hbm4b:s6+s4], $0x80, v4, vm0, $0xb8;
	[tilespmem:$0x18180] =	vst v63  }
0x36: {  	s17 =	simm.s32 $0x2980  }
0x37: {  	[tilespmem:s17], [sflag:$0x1] =	stream.indirect_vreg.gather [hbm4b:s7+s4], $0x80, v4, vm0, $0xb8;
	[tilespmem:$0x18180] =	vst v63  }
0x38: {  	v4 =	vld [tilespmem:$0x110];
	_ =	sdelay $0x4  }
0x39: {  	v5 =	vshrl.u32 v4, $0x3  }
0x3a: {  	v5 =	vmul.u32 $0x30, v5  }
0x3b: {  	v4 =	vand.u32 $0x7, v4  }
0x3c: {  	v4 =	vor.u32 v4, v5  }
0x3d: {  	v5 =	vperm.xlane v4, v1;
	_ =	sdelay $0x1  }
0x3e: {  	v5 =	vadd.s32 v2, v5;
	_ =	sdelay $0x3  }
0x3f: {  	s18 =	simm.s32 $0x3180;
	v4 =	vperm.xlane v4, v3  }
0x40: {  	[tilespmem:s18], [sflag:$0x1] =	stream.indirect_vreg.gather [hbm4b:s1+s4], $0x80, v5, vm0, $0xb8;
	[tilespmem:$0x18180] =	vst v63  }
0x41: {  	s19 =	simm.s32 $0x3980;
	v4 =	vadd.s32 v2, v4  }
0x42: {  	[tilespmem:s19], [sflag:$0x1] =	stream.indirect_vreg.gather [hbm4b:s6+s4], $0x80, v5, vm0, $0xb8;
	[tilespmem:$0x18180] =	vst v63  }
0x43: {  	s16 =	simm.s32 $0x4180  }
0x44: {  	[tilespmem:s16], [sflag:$0x1] =	stream.indirect_vreg.gather [hbm4b:s7+s4], $0x80, v5, vm0, $0xb8;
	[tilespmem:$0x18180] =	vst v63  }
0x45: {  	s17 =	simm.s32 $0x4980  }
0x46: {  	[tilespmem:s17], [sflag:$0x1] =	stream.indirect_vreg.gather [hbm4b:s1+s4], $0x80, v4, vm0, $0xb8;
	[tilespmem:$0x18180] =	vst v63  }
0x47: {  	s18 =	simm.s32 $0x5180  }
0x48: {  	[tilespmem:s18], [sflag:$0x1] =	stream.indirect_vreg.gather [hbm4b:s6+s4], $0x80, v4, vm0, $0xb8;
	[tilespmem:$0x18180] =	vst v63  }
0x49: {  	s19 =	simm.s32 $0x5980  }
0x4a: {  	[tilespmem:s19], [sflag:$0x1] =	stream.indirect_vreg.gather [hbm4b:s7+s4], $0x80, v4, vm0, $0xb8;
	[tilespmem:$0x18180] =	vst v63  }
0x4b: {  	v4 =	vld [tilespmem:$0x120];
	_ =	sdelay $0x4  }
0x4c: {  	v5 =	vshrl.u32 v4, $0x3  }
0x4d: {  	v5 =	vmul.u32 $0x30, v5  }
0x4e: {  	v4 =	vand.u32 $0x7, v4  }
0x4f: {  	v4 =	vor.u32 v4, v5  }
0x50: {  	v5 =	vperm.xlane v4, v1;
	_ =	sdelay $0x1  }
0x51: {  	v5 =	vadd.s32 v2, v5;
	_ =	sdelay $0x3  }
0x52: {  	s16 =	simm.s32 $0x6180;
	v4 =	vperm.xlane v4, v3  }
0x53: {  	[tilespmem:s16], [sflag:$0x1] =	stream.indirect_vreg.gather [hbm4b:s1+s4], $0x80, v5, vm0, $0xb8;
	[tilespmem:$0x18180] =	vst v63  }
0x54: {  	s17 =	simm.s32 $0x6980;
	v4 =	vadd.s32 v2, v4  }
0x55: {  	[tilespmem:s17], [sflag:$0x1] =	stream.indirect_vreg.gather [hbm4b:s6+s4], $0x80, v5, vm0, $0xb8;
	[tilespmem:$0x18180] =	vst v63  }
0x56: {  	s18 =	simm.s32 $0x7180  }
0x57: {  	[tilespmem:s18], [sflag:$0x1] =	stream.indirect_vreg.gather [hbm4b:s7+s4], $0x80, v5, vm0, $0xb8;
	[tilespmem:$0x18180] =	vst v63  }
0x58: {  	s19 =	simm.s32 $0x7980  }
0x59: {  	[tilespmem:s19], [sflag:$0x1] =	stream.indirect_vreg.gather [hbm4b:s1+s4], $0x80, v4, vm0, $0xb8;
	[tilespmem:$0x18180] =	vst v63  }
0x5a: {  	s16 =	simm.s32 $0x8180  }
0x5b: {  	[tilespmem:s16], [sflag:$0x1] =	stream.indirect_vreg.gather [hbm4b:s6+s4], $0x80, v4, vm0, $0xb8;
	[tilespmem:$0x18180] =	vst v63  }
0x5c: {  	s17 =	simm.s32 $0x8980  }
0x5d: {  	[tilespmem:s17], [sflag:$0x1] =	stream.indirect_vreg.gather [hbm4b:s7+s4], $0x80, v4, vm0, $0xb8;
	[tilespmem:$0x18180] =	vst v63  }
0x5e: {  	v4 =	vld [tilespmem:$0x130];
	_ =	sdelay $0x4  }
0x5f: {  	v5 =	vshrl.u32 v4, $0x3  }
0x60: {  	v5 =	vmul.u32 $0x30, v5  }
0x61: {  	v4 =	vand.u32 $0x7, v4  }
0x62: {  	v4 =	vor.u32 v4, v5  }
0x63: {  	v5 =	vperm.xlane v4, v1;
	_ =	sdelay $0x1  }
0x64: {  	v5 =	vadd.s32 v2, v5;
	_ =	sdelay $0x3  }
0x65: {  	s18 =	simm.s32 $0x9180;
	v4 =	vperm.xlane v4, v3  }
0x66: {  	[tilespmem:s18], [sflag:$0x1] =	stream.indirect_vreg.gather [hbm4b:s1+s4], $0x80, v5, vm0, $0xb8;
	[tilespmem:$0x18180] =	vst v63  }
0x67: {  	s19 =	simm.s32 $0x9980;
	v4 =	vadd.s32 v2, v4  }
0x68: {  	[tilespmem:s19], [sflag:$0x1] =	stream.indirect_vreg.gather [hbm4b:s6+s4], $0x80, v5, vm0, $0xb8;
	[tilespmem:$0x18180] =	vst v63  }
0x69: {  	s16 =	simm.s32 $0xA180  }
0x6a: {  	[tilespmem:s16], [sflag:$0x1] =	stream.indirect_vreg.gather [hbm4b:s7+s4], $0x80, v5, vm0, $0xb8;
	[tilespmem:$0x18180] =	vst v63  }
0x6b: {  	s17 =	simm.s32 $0xA980  }
0x6c: {  	[tilespmem:s17], [sflag:$0x1] =	stream.indirect_vreg.gather [hbm4b:s1+s4], $0x80, v4, vm0, $0xb8;
	[tilespmem:$0x18180] =	vst v63  }
0x6d: {  	s18 =	simm.s32 $0xB180;
	s16 =	rddreg [dreg:$0x6]  }
0x6e: {  	[tilespmem:s18], [sflag:$0x1] =	stream.indirect_vreg.gather [hbm4b:s6+s4], $0x80, v4, vm0, $0xb8;
	[tilespmem:$0x18180] =	vst v63  }
0x6f: {  	s15 =	simm.s32 $0x80;
	s19 =	simm.s32 $0xB980;
	s17 =	rddreg [dreg:$0x5]  }
0x70: {  	[tilespmem:s19], [sflag:$0x1] =	stream.indirect_vreg.gather [hbm4b:s7+s4], $0x80, v4, vm0, $0xb8;
	[tilespmem:$0x18180] =	vst v63  }
.LBB2_2:
0x71: {  	_ =	swait.ge [sflag:s10], $0xC000  }
0x72: {  	p0 =	seq.s32 s15, $0x80;
	[sflag:s10] =	ssyncset.done $0x0  }
0x73: {  	s18 =	simm.s32 @!p0 $0x4;
	[sflag:s10] =	ssyncadd.s32 $0xFFFF4000  }
0x74: {  	[hbm4b:s17+s4] =	stream.linear.scatter [tilespmem:s12], [sflag:$0x3], $0xC000, $0x38;
	[tilespmem:$0x18180] =	vst v63  }
0x75: {  	_ =	swait.ge @!p0 [sflag:s18], $0xC000  }
0x76: {  	s19 =	sadd.s32 $0xFFFFFFC0, s15;
	[sflag:s18] =	ssyncset.done @!p0 $0x0  }
0x77: {  	s19 =	sand.u32 $0xC0, s19;
	[sflag:s18] =	ssyncadd.s32 @!p0 $0xFFFF4000  }
0x78: {  	v4 =	vld [tilespmem:s19+$0x0];
	_ =	sdelay $0x1  }
0x79: {  	s18 =	sadd.s32 $0xFFFFFF80, s15  }
0x7a: {  	s19 =	sand.u32 $0x300, s18  }
0x7b: {  	s19 =	sor.u32 s5, s19  }
0x7c: {  	v5 =	vadd.s32 s19, v4  }
0x7d: {  	s18 =	sand.u32 $0x80, s18;
	[tilespmem:$0x140] =	vst v5  }
0x7e: {  	v6 =	vld [tilespmem:s18+$0x50];
	_ =	sdelay $0x4  }
0x7f: {  	v6 =	vadd.s32 s19, v6  }
0x80: {  	[tilespmem:$0x150] =	vst v6  }
0x81: {  	v6 =	vld [tilespmem:s18+$0x60];
	_ =	sdelay $0x2  }
0x82: {  	v5 =	vshrl.u32 v5, $0x3  }
0x83: {  	v5 =	vmul.u32 $0x30, v5  }
0x84: {  	v4 =	vand.u32 $0x7, v4;
	v6 =	vadd.s32 s19, v6  }
0x85: {  	v4 =	vor.u32 v4, v5;
	[tilespmem:$0x160] =	vst v6  }
0x86: {  	v63 =	vperm.xlane v4, v1;
	v5 =	vld [tilespmem:s18+$0x70];
	_ =	sdelay $0x1  }
0x87: {  	v6 =	vadd.s32 v2, v63;
	_ =	sdelay $0x2  }
0x88: {  	v5 =	vadd.s32 s19, v5  }
0x89: {  	v4 =	vperm.xlane v4, v3;
	[tilespmem:$0x170] =	vst v5  }
0x8a: {  	[tilespmem:s11], [sflag:$0x2] =	stream.indirect_vreg.gather [hbm4b:s1+s4], $0x80, v6, vm0, $0xb8;
	[tilespmem:$0x18180] =	vst v63  }
0x8b: {  	v4 =	vadd.s32 v2, v4;
	s19 =	simm.s32 $0xC980  }
0x8c: {  	[tilespmem:s19], [sflag:$0x2] =	stream.indirect_vreg.gather [hbm4b:s6+s4], $0x80, v6, vm0, $0xb8;
	[tilespmem:$0x18180] =	vst v63  }
0x8d: {  	s19 =	simm.s32 $0xD180  }
0x8e: {  	[tilespmem:s19], [sflag:$0x2] =	stream.indirect_vreg.gather [hbm4b:s7+s4], $0x80, v6, vm0, $0xb8;
	[tilespmem:$0x18180] =	vst v63  }
0x8f: {  	s19 =	simm.s32 $0xD980  }
0x90: {  	[tilespmem:s19], [sflag:$0x2] =	stream.indirect_vreg.gather [hbm4b:s1+s4], $0x80, v4, vm0, $0xb8;
	[tilespmem:$0x18180] =	vst v63  }
0x91: {  	s19 =	simm.s32 $0xE180  }
0x92: {  	[tilespmem:s19], [sflag:$0x2] =	stream.indirect_vreg.gather [hbm4b:s6+s4], $0x80, v4, vm0, $0xb8;
	[tilespmem:$0x18180] =	vst v63  }
0x93: {  	s19 =	simm.s32 $0xE980  }
0x94: {  	[tilespmem:s19], [sflag:$0x2] =	stream.indirect_vreg.gather [hbm4b:s7+s4], $0x80, v4, vm0, $0xb8;
	[tilespmem:$0x18180] =	vst v63  }
0x95: {  	v4 =	vld [tilespmem:$0x150];
	_ =	sdelay $0x4  }
0x96: {  	v5 =	vshrl.u32 v4, $0x3  }
0x97: {  	v5 =	vmul.u32 $0x30, v5  }
0x98: {  	v4 =	vand.u32 $0x7, v4  }
0x99: {  	v4 =	vor.u32 v4, v5  }
0x9a: {  	v5 =	vperm.xlane v4, v1;
	_ =	sdelay $0x1  }
0x9b: {  	v5 =	vadd.s32 v2, v5;
	_ =	sdelay $0x3  }
0x9c: {  	s19 =	simm.s32 $0xF180;
	v4 =	vperm.xlane v4, v3  }
0x9d: {  	[tilespmem:s19], [sflag:$0x2] =	stream.indirect_vreg.gather [hbm4b:s1+s4], $0x80, v5, vm0, $0xb8;
	[tilespmem:$0x18180] =	vst v63  }
0x9e: {  	v4 =	vadd.s32 v2, v4;
	s19 =	simm.s32 $0xF980  }
0x9f: {  	[tilespmem:s19], [sflag:$0x2] =	stream.indirect_vreg.gather [hbm4b:s6+s4], $0x80, v5, vm0, $0xb8;
	[tilespmem:$0x18180] =	vst v63  }
0xa0: {  	_ = 	snop  }
0xa1: {  	[tilespmem:s20], [sflag:$0x2] =	stream.indirect_vreg.gather [hbm4b:s7+s4], $0x80, v5, vm0, $0xb8;
	[tilespmem:$0x18180] =	vst v63  }
0xa2: {  	_ = 	snop  }
0xa3: {  	[tilespmem:s21], [sflag:$0x2] =	stream.indirect_vreg.gather [hbm4b:s1+s4], $0x80, v4, vm0, $0xb8;
	[tilespmem:$0x18180] =	vst v63  }
0xa4: {  	_ = 	snop  }
0xa5: {  	[tilespmem:s22], [sflag:$0x2] =	stream.indirect_vreg.gather [hbm4b:s6+s4], $0x80, v4, vm0, $0xb8;
	[tilespmem:$0x18180] =	vst v63  }
0xa6: {  	_ = 	snop  }
0xa7: {  	[tilespmem:s23], [sflag:$0x2] =	stream.indirect_vreg.gather [hbm4b:s7+s4], $0x80, v4, vm0, $0xb8;
	[tilespmem:$0x18180] =	vst v63  }
0xa8: {  	v4 =	vld [tilespmem:$0x160];
	_ =	sdelay $0x4  }
0xa9: {  	v5 =	vshrl.u32 v4, $0x3  }
0xaa: {  	v5 =	vmul.u32 $0x30, v5  }
0xab: {  	v4 =	vand.u32 $0x7, v4  }
0xac: {  	v4 =	vor.u32 v4, v5  }
0xad: {  	v5 =	vperm.xlane v4, v1;
	_ =	sdelay $0x1  }
0xae: {  	v5 =	vadd.s32 v2, v5;
	_ =	sdelay $0x3  }
0xaf: {  	v4 =	vperm.xlane v4, v3  }
0xb0: {  	[tilespmem:s24], [sflag:$0x2] =	stream.indirect_vreg.gather [hbm4b:s1+s4], $0x80, v5, vm0, $0xb8;
	[tilespmem:$0x18180] =	vst v63  }
0xb1: {  	v4 =	vadd.s32 v2, v4  }
0xb2: {  	[tilespmem:s25], [sflag:$0x2] =	stream.indirect_vreg.gather [hbm4b:s6+s4], $0x80, v5, vm0, $0xb8;
	[tilespmem:$0x18180] =	vst v63  }
0xb3: {  	_ = 	snop  }
0xb4: {  	[tilespmem:s26], [sflag:$0x2] =	stream.indirect_vreg.gather [hbm4b:s7+s4], $0x80, v5, vm0, $0xb8;
	[tilespmem:$0x18180] =	vst v63  }
0xb5: {  	_ = 	snop  }
0xb6: {  	[tilespmem:s28], [sflag:$0x2] =	stream.indirect_vreg.gather [hbm4b:s1+s4], $0x80, v4, vm0, $0xb8;
	[tilespmem:$0x18180] =	vst v63  }
0xb7: {  	_ = 	snop  }
0xb8: {  	[tilespmem:s29], [sflag:$0x2] =	stream.indirect_vreg.gather [hbm4b:s6+s4], $0x80, v4, vm0, $0xb8;
	[tilespmem:$0x18180] =	vst v63  }
0xb9: {  	_ = 	snop  }
0xba: {  	[tilespmem:s30], [sflag:$0x2] =	stream.indirect_vreg.gather [hbm4b:s7+s4], $0x80, v4, vm0, $0xb8;
	[tilespmem:$0x18180] =	vst v63  }
0xbb: {  	v4 =	vld [tilespmem:$0x170];
	_ =	sdelay $0x4  }
0xbc: {  	v5 =	vshrl.u32 v4, $0x3  }
0xbd: {  	v5 =	vmul.u32 $0x30, v5  }
0xbe: {  	v4 =	vand.u32 $0x7, v4  }
0xbf: {  	v4 =	vor.u32 v4, v5  }
0xc0: {  	v5 =	vperm.xlane v4, v1;
	_ =	sdelay $0x1  }
0xc1: {  	v5 =	vadd.s32 v2, v5;
	_ =	sdelay $0x3  }
0xc2: {  	v4 =	vperm.xlane v4, v3  }
0xc3: {  	[tilespmem:s31], [sflag:$0x2] =	stream.indirect_vreg.gather [hbm4b:s1+s4], $0x80, v5, vm0, $0xb8;
	[tilespmem:$0x18180] =	vst v63  }
0xc4: {  	v4 =	vadd.s32 v2, v4  }
0xc5: {  	[tilespmem:s2], [sflag:$0x2] =	stream.indirect_vreg.gather [hbm4b:s6+s4], $0x80, v5, vm0, $0xb8;
	[tilespmem:$0x18180] =	vst v63  }
0xc6: {  	_ = 	snop  }
0xc7: {  	[tilespmem:s0], [sflag:$0x2] =	stream.indirect_vreg.gather [hbm4b:s7+s4], $0x80, v5, vm0, $0xb8;
	[tilespmem:$0x18180] =	vst v63  }
0xc8: {  	_ = 	snop  }
0xc9: {  	[tilespmem:s3], [sflag:$0x2] =	stream.indirect_vreg.gather [hbm4b:s1+s4], $0x80, v4, vm0, $0xb8;
	[tilespmem:$0x18180] =	vst v63  }
0xca: {  	_ = 	snop  }
0xcb: {  	[tilespmem:s8], [sflag:$0x2] =	stream.indirect_vreg.gather [hbm4b:s6+s4], $0x80, v4, vm0, $0xb8;
	[tilespmem:$0x18180] =	vst v63  }
0xcc: {  	_ = 	snop  }
0xcd: {  	[tilespmem:s9], [sflag:$0x2] =	stream.indirect_vreg.gather [hbm4b:s7+s4], $0x80, v4, vm0, $0xb8;
	[tilespmem:$0x18180] =	vst v63  }
0xce: {  	_ =	swait.ge [sflag:s13], $0xC000  }
0xcf: {  	p0 =	seq.s32 s15, $0x400;
	[sflag:s13] =	ssyncset.done $0x0  }
.Ltmp2:
0xd0: {  	[sflag:s13] =	ssyncadd.s32 $0xFFFF4000;
	(pc) =	sbr.rel @p0 .LBB2_4-.Ltmp2, $4  }
0xd1: {  	[hbm4b:s16+s4] =	stream.linear.scatter [tilespmem:s11], [sflag:$0x4], $0xC000, $0x38;
	[tilespmem:$0x18180] =	vst v63  }
0xd2: {  	_ =	swait.ge [sflag:s14], $0xC000  }
0xd3: {  	[sflag:s14] =	ssyncset.done $0x0  }
0xd4: {  	[sflag:s14] =	ssyncadd.s32 $0xFFFF4000  }
0xd5: {  	s18 =	sand.u32 $0x80, s15  }
0xd6: {  	v4 =	vld [tilespmem:s18+$0x0];
	_ =	sdelay $0x2  }
0xd7: {  	s19 =	sadd.s32 s15, s5  }
0xd8: {  	s19 =	sand.u32 $0xFF00, s19  }
0xd9: {  	v5 =	vadd.s32 s19, v4  }
0xda: {  	[tilespmem:$0x100] =	vst v5  }
0xdb: {  	v6 =	vld [tilespmem:s18+$0x10];
	_ =	sdelay $0x4  }
0xdc: {  	v6 =	vadd.s32 s19, v6  }
0xdd: {  	[tilespmem:$0x110] =	vst v6  }
0xde: {  	v6 =	vld [tilespmem:s18+$0x20];
	_ =	sdelay $0x2  }
0xdf: {  	v5 =	vshrl.u32 v5, $0x3  }
0xe0: {  	v5 =	vmul.u32 $0x30, v5  }
0xe1: {  	v4 =	vand.u32 $0x7, v4;
	v6 =	vadd.s32 s19, v6  }
0xe2: {  	v4 =	vor.u32 v4, v5;
	[tilespmem:$0x120] =	vst v6  }
0xe3: {  	v63 =	vperm.xlane v4, v1;
	v5 =	vld [tilespmem:s18+$0x30];
	_ =	sdelay $0x1  }
0xe4: {  	v6 =	vadd.s32 v2, v63;
	_ =	sdelay $0x2  }
0xe5: {  	v5 =	vadd.s32 s19, v5  }
0xe6: {  	v4 =	vperm.xlane v4, v3;
	[tilespmem:$0x130] =	vst v5  }
0xe7: {  	[tilespmem:s12], [sflag:$0x1] =	stream.indirect_vreg.gather [hbm4b:s1+s4], $0x80, v6, vm0, $0xb8;
	[tilespmem:$0x18180] =	vst v63  }
0xe8: {  	v4 =	vadd.s32 v2, v4;
	s19 =	simm.s32 $0x980  }
0xe9: {  	[tilespmem:s19], [sflag:$0x1] =	stream.indirect_vreg.gather [hbm4b:s6+s4], $0x80, v6, vm0, $0xb8;
	[tilespmem:$0x18180] =	vst v63  }
0xea: {  	s19 =	simm.s32 $0x1180  }
0xeb: {  	[tilespmem:s19], [sflag:$0x1] =	stream.indirect_vreg.gather [hbm4b:s7+s4], $0x80, v6, vm0, $0xb8;
	[tilespmem:$0x18180] =	vst v63  }
0xec: {  	s19 =	simm.s32 $0x1980  }
0xed: {  	[tilespmem:s19], [sflag:$0x1] =	stream.indirect_vreg.gather [hbm4b:s1+s4], $0x80, v4, vm0, $0xb8;
	[tilespmem:$0x18180] =	vst v63  }
0xee: {  	s19 =	simm.s32 $0x2180  }
0xef: {  	[tilespmem:s19], [sflag:$0x1] =	stream.indirect_vreg.gather [hbm4b:s6+s4], $0x80, v4, vm0, $0xb8;
	[tilespmem:$0x18180] =	vst v63  }
0xf0: {  	s19 =	simm.s32 $0x2980  }
0xf1: {  	[tilespmem:s19], [sflag:$0x1] =	stream.indirect_vreg.gather [hbm4b:s7+s4], $0x80, v4, vm0, $0xb8;
	[tilespmem:$0x18180] =	vst v63  }
0xf2: {  	v4 =	vld [tilespmem:$0x110];
	_ =	sdelay $0x4  }
0xf3: {  	v5 =	vshrl.u32 v4, $0x3  }
0xf4: {  	v5 =	vmul.u32 $0x30, v5  }
0xf5: {  	v4 =	vand.u32 $0x7, v4  }
0xf6: {  	v4 =	vor.u32 v4, v5  }
0xf7: {  	v5 =	vperm.xlane v4, v1;
	_ =	sdelay $0x1  }
0xf8: {  	v5 =	vadd.s32 v2, v5;
	_ =	sdelay $0x3  }
0xf9: {  	s19 =	simm.s32 $0x3180;
	v4 =	vperm.xlane v4, v3  }
0xfa: {  	[tilespmem:s19], [sflag:$0x1] =	stream.indirect_vreg.gather [hbm4b:s1+s4], $0x80, v5, vm0, $0xb8;
	[tilespmem:$0x18180] =	vst v63  }
0xfb: {  	v4 =	vadd.s32 v2, v4;
	s19 =	simm.s32 $0x3980  }
0xfc: {  	[tilespmem:s19], [sflag:$0x1] =	stream.indirect_vreg.gather [hbm4b:s6+s4], $0x80, v5, vm0, $0xb8;
	[tilespmem:$0x18180] =	vst v63  }
0xfd: {  	s19 =	simm.s32 $0x4180  }
0xfe: {  	[tilespmem:s19], [sflag:$0x1] =	stream.indirect_vreg.gather [hbm4b:s7+s4], $0x80, v5, vm0, $0xb8;
	[tilespmem:$0x18180] =	vst v63  }
0xff: {  	s19 =	simm.s32 $0x4980  }
0x100: {  	[tilespmem:s19], [sflag:$0x1] =	stream.indirect_vreg.gather [hbm4b:s1+s4], $0x80, v4, vm0, $0xb8;
	[tilespmem:$0x18180] =	vst v63  }
0x101: {  	s19 =	simm.s32 $0x5180  }
0x102: {  	[tilespmem:s19], [sflag:$0x1] =	stream.indirect_vreg.gather [hbm4b:s6+s4], $0x80, v4, vm0, $0xb8;
	[tilespmem:$0x18180] =	vst v63  }
0x103: {  	s19 =	simm.s32 $0x5980  }
0x104: {  	[tilespmem:s19], [sflag:$0x1] =	stream.indirect_vreg.gather [hbm4b:s7+s4], $0x80, v4, vm0, $0xb8;
	[tilespmem:$0x18180] =	vst v63  }
0x105: {  	v4 =	vld [tilespmem:$0x120];
	_ =	sdelay $0x4  }
0x106: {  	v5 =	vshrl.u32 v4, $0x3  }
0x107: {  	v5 =	vmul.u32 $0x30, v5  }
0x108: {  	v4 =	vand.u32 $0x7, v4  }
0x109: {  	v4 =	vor.u32 v4, v5  }
0x10a: {  	v5 =	vperm.xlane v4, v1;
	_ =	sdelay $0x1  }
0x10b: {  	v5 =	vadd.s32 v2, v5;
	_ =	sdelay $0x3  }
0x10c: {  	s19 =	simm.s32 $0x6180;
	v4 =	vperm.xlane v4, v3  }
0x10d: {  	[tilespmem:s19], [sflag:$0x1] =	stream.indirect_vreg.gather [hbm4b:s1+s4], $0x80, v5, vm0, $0xb8;
	[tilespmem:$0x18180] =	vst v63  }
0x10e: {  	v4 =	vadd.s32 v2, v4;
	s19 =	simm.s32 $0x6980  }
0x10f: {  	[tilespmem:s19], [sflag:$0x1] =	stream.indirect_vreg.gather [hbm4b:s6+s4], $0x80, v5, vm0, $0xb8;
	[tilespmem:$0x18180] =	vst v63  }
0x110: {  	s19 =	simm.s32 $0x7180  }
0x111: {  	[tilespmem:s19], [sflag:$0x1] =	stream.indirect_vreg.gather [hbm4b:s7+s4], $0x80, v5, vm0, $0xb8;
	[tilespmem:$0x18180] =	vst v63  }
0x112: {  	s19 =	simm.s32 $0x7980  }
0x113: {  	[tilespmem:s19], [sflag:$0x1] =	stream.indirect_vreg.gather [hbm4b:s1+s4], $0x80, v4, vm0, $0xb8;
	[tilespmem:$0x18180] =	vst v63  }
0x114: {  	s19 =	simm.s32 $0x8180  }
0x115: {  	[tilespmem:s19], [sflag:$0x1] =	stream.indirect_vreg.gather [hbm4b:s6+s4], $0x80, v4, vm0, $0xb8;
	[tilespmem:$0x18180] =	vst v63  }
0x116: {  	s19 =	simm.s32 $0x8980  }
0x117: {  	[tilespmem:s19], [sflag:$0x1] =	stream.indirect_vreg.gather [hbm4b:s7+s4], $0x80, v4, vm0, $0xb8;
	[tilespmem:$0x18180] =	vst v63  }
0x118: {  	v4 =	vld [tilespmem:$0x130];
	_ =	sdelay $0x4  }
0x119: {  	v5 =	vshrl.u32 v4, $0x3  }
0x11a: {  	v5 =	vmul.u32 $0x30, v5  }
0x11b: {  	v4 =	vand.u32 $0x7, v4  }
0x11c: {  	v4 =	vor.u32 v4, v5  }
0x11d: {  	v5 =	vperm.xlane v4, v1;
	_ =	sdelay $0x1  }
0x11e: {  	v5 =	vadd.s32 v2, v5;
	_ =	sdelay $0x3  }
0x11f: {  	s19 =	simm.s32 $0x9180;
	v4 =	vperm.xlane v4, v3  }
0x120: {  	[tilespmem:s19], [sflag:$0x1] =	stream.indirect_vreg.gather [hbm4b:s1+s4], $0x80, v5, vm0, $0xb8;
	[tilespmem:$0x18180] =	vst v63  }
0x121: {  	v4 =	vadd.s32 v2, v4;
	s19 =	simm.s32 $0x9980  }
0x122: {  	[tilespmem:s19], [sflag:$0x1] =	stream.indirect_vreg.gather [hbm4b:s6+s4], $0x80, v5, vm0, $0xb8;
	[tilespmem:$0x18180] =	vst v63  }
0x123: {  	s19 =	simm.s32 $0xA180  }
0x124: {  	[tilespmem:s19], [sflag:$0x1] =	stream.indirect_vreg.gather [hbm4b:s7+s4], $0x80, v5, vm0, $0xb8;
	[tilespmem:$0x18180] =	vst v63  }
0x125: {  	s19 =	simm.s32 $0xA980  }
0x126: {  	[tilespmem:s19], [sflag:$0x1] =	stream.indirect_vreg.gather [hbm4b:s1+s4], $0x80, v4, vm0, $0xb8;
	[tilespmem:$0x18180] =	vst v63  }
.Ltmp3:
0x127: {  	_ = 	snop;
	(pc) =	sbr.rel .LBB2_2-.Ltmp3, $4  }
0x128: {  	s17 =	sadd.s32 $0x3000, s17;
	s19 =	simm.s32 $0xB180  }
0x129: {  	[tilespmem:s19], [sflag:$0x1] =	stream.indirect_vreg.gather [hbm4b:s6+s4], $0x80, v4, vm0, $0xb8;
	[tilespmem:$0x18180] =	vst v63  }
0x12a: {  	s15 =	sadd.s32 $0x80, s15;
	s16 =	sadd.s32 $0x3000, s16;
	s19 =	simm.s32 $0xB980  }
0x12b: {  	[tilespmem:s19], [sflag:$0x1] =	stream.indirect_vreg.gather [hbm4b:s7+s4], $0x80, v4, vm0, $0xb8;
	[tilespmem:$0x18180] =	vst v63  }
.LBB2_5:
0x12c: {  	_ =	sfence.sel $0x180000  }
0x12d: {  	[bflag:$0x0] =	sbarrier.arrive $0xFFFF  }
0x12e: {  	_ =	strace $0x90000047  }
0x12f: {  	s0 =	stileid.u32;
	[bflag:$0x2] =	sbarrier.arrive $0xFFFF  }
0x130: {  	p0 =	sne.s32 s0, $0x0;
	s0 =	rddreg [dreg:$0x3]  }
0x131: {  	s0 =	sadd.s32 @!p0 $0x100000, s0  }
0x132: {  	[sflag:s0] =	ssyncadd.tile.s32 @!p0 $0x1;
	_ =	shalt  }
.Lfunc_end2:
_tile_overlayer_lowered:
.L_overlay_start_2:
0x133: {  	(tag) =	ssettag $0x2  }
0x134: {  	s0 =	rddreg [dreg:$0x0];
	s2 =	stileid.u32  }
0x135: {  	s1 =	rddreg [dreg:$0x1];
	p0 =	sne.s32 s2, $0x0  }
0x136: {  	s3 =	rddreg [dreg:$0x2];
	[bflag:$0x3] =	sbarrier.arrive $0xFFFF;
	s2 =	simm.s32 @!p0 $0x1C05  }
0x137: {  	[timem:s3], [sflag:s2] =	dma.local @!p0 [hbm:s0], s1  }
0x138: {  	s0 =	simm.s32 @!p0 $0x5  }
0x139: {  	_ =	swait.ge @!p0 [sflag:s0], s1  }
0x13a: {  	s1 =	ssub.s32 @!p0 $0x0, s1;
	[sflag:s0] =	ssyncset.done @!p0 $0x0  }
0x13b: {  	[sflag:s0] =	ssyncadd.s32 @!p0 s1  }
0x13c: {  	[bflag:$0x3] =	sbarrier.arrive $0xFFFF  }
0x13d: {  	_ =	shalt  }

</sc_bundles>
